<compile_context>
chip_gen: v7x
topology: tpu7x:2x2x1
jax: 0.10.2.dev20260603
libtpu: 0.0.44.dev20260713+nightly
codegen_flags: <defaults>
</compile_context>

<pallas_src>
import functools

import jax
import jax.numpy as jnp
from jax.experimental import pallas as pl
from jax.experimental.pallas import tpu as pltpu

N = 10000
E = 160000
HEADS = 4
HID = 128
EMBED = 64
IN_DIM = 7


def _mm_body(x_ref, w_ref, o_ref):
    o_ref[...] = jnp.dot(x_ref[...], w_ref[...],
                         preferred_element_type=jnp.float32)


def _matmul(x, w, block_m=1000):
    m, k = x.shape
    k2, n = w.shape
    grid = (m // block_m,)
    return pl.pallas_call(
        _mm_body,
        grid=grid,
        in_specs=[
            pl.BlockSpec((block_m, k), lambda i: (i, 0)),
            pl.BlockSpec((k, n), lambda i: (0, 0)),
        ],
        out_specs=pl.BlockSpec((block_m, n), lambda i: (i, 0)),
        out_shape=jax.ShapeDtypeStruct((m, n), jnp.float32),
    )(x, w)


def _edge_stage(xl, xr, src, dst, att, heads, ch):
    n = xl.shape[0]
    xlh = xl.reshape(n, heads, ch)
    xrh = xr.reshape(n, heads, ch)
    xj = jnp.take(xlh, src, axis=0)
    xi = jnp.take(xrh, dst, axis=0)
    z = jax.nn.leaky_relu(xi + xj, negative_slope=0.2)
    e = jnp.sum(z * att[None, :, :], axis=-1)
    ex = jnp.exp(e)
    denom = jax.ops.segment_sum(ex, dst, num_segments=n)
    msg = xj * ex[..., None]
    out = jax.ops.segment_sum(msg, dst, num_segments=n)
    return out / denom[:, :, None]


def kernel(x, edge_index, Wl1, Wr1, att1, b1, Wl2, Wr2, att2, b2):
    loop = jnp.arange(N, dtype=edge_index.dtype)
    src = jnp.concatenate([edge_index[0], loop])
    dst = jnp.concatenate([edge_index[1], loop])

    xpad = jnp.pad(x, ((0, 0), (0, 1)))
    W1 = jnp.pad(jnp.concatenate([Wl1, Wr1], axis=1), ((0, 1), (0, 0)))
    xlr1 = _matmul(xpad, W1)
    xl1, xr1 = xlr1[:, : HEADS * HID], xlr1[:, HEADS * HID:]

    h = _edge_stage(xl1, xr1, src, dst, att1, HEADS, HID)
    h = h.reshape(N, HEADS * HID) + b1
    h = jax.nn.elu(h)

    W2 = jnp.concatenate([Wl2, Wr2], axis=1)
    xlr2 = _matmul(h, W2)
    xl2, xr2 = xlr2[:, :EMBED], xlr2[:, EMBED:]

    out = _edge_stage(xl2, xr2, src, dst, att2, 1, EMBED)
    out = out.reshape(N, EMBED) + b2
    return out.reshape(-1)

# --- scband reference (transcript-rebuilt; emitter-appended) ---
"""Pipeline reference for scband-single-obs-encoder-67791763800610 (READ-ONLY COPY).

The authoritative reference and input builder live on the scoring server;
editing this copy changes nothing except your own understanding.
"""

import jax, jax.numpy as jnp
import numpy as np

N = 10000
E = 160000
HEADS = 4
HID = 128
EMBED = 64
IN_DIM = 7


def setup_inputs(seed: int = 0) -> dict:
    key = jax.random.key(seed)
    ks = jax.random.split(key, 12)
    x = jax.random.normal(ks[0], (N, IN_DIM), dtype=jnp.float32)
    edge_index = jax.random.randint(ks[1], (2, E), 0, N, dtype=jnp.int32)
    # GATv2 layer 1: in=7, out=128, heads=4, concat=True
    s1 = 1.0 / np.sqrt(IN_DIM)
    Wl1 = jax.random.normal(ks[2], (IN_DIM, HEADS * HID), dtype=jnp.float32) * s1
    Wr1 = jax.random.normal(ks[3], (IN_DIM, HEADS * HID), dtype=jnp.float32) * s1
    att1 = jax.random.normal(ks[4], (HEADS, HID), dtype=jnp.float32) * (1.0 / np.sqrt(HID))
    b1 = jnp.zeros((HEADS * HID,), dtype=jnp.float32)
    # GATv2 layer 2: in=512, out=64, heads=1, concat=False
    s2 = 1.0 / np.sqrt(HEADS * HID)
    Wl2 = jax.random.normal(ks[5], (HEADS * HID, EMBED), dtype=jnp.float32) * s2
    Wr2 = jax.random.normal(ks[6], (HEADS * HID, EMBED), dtype=jnp.float32) * s2
    att2 = jax.random.normal(ks[7], (1, EMBED), dtype=jnp.float32) * (1.0 / np.sqrt(EMBED))
    b2 = jnp.zeros((EMBED,), dtype=jnp.float32)
    return {"x": x, "edge_index": edge_index, "Wl1": Wl1, "Wr1": Wr1, "att1": att1, "b1": b1,
            "Wl2": Wl2, "Wr2": Wr2, "att2": att2, "b2": b2}


def gatv2_layer(x, edge_index, Wl, Wr, att, bias, heads, out_ch, concat):
    n = x.shape[0]
    # PyG GATv2Conv default add_self_loops=True
    loop = jnp.arange(n, dtype=edge_index.dtype)
    src = jnp.concatenate([edge_index[0], loop])
    dst = jnp.concatenate([edge_index[1], loop])
    xl = (x @ Wl).reshape(n, heads, out_ch)  # source transform (lin_l)
    xr = (x @ Wr).reshape(n, heads, out_ch)  # target transform (lin_r)
    xj = jnp.take(xl, src, axis=0)  # [E', H, C]
    xi = jnp.take(xr, dst, axis=0)
    z = jax.nn.leaky_relu(xi + xj, negative_slope=0.2)
    e = jnp.sum(z * att[None, :, :], axis=-1)  # [E', H]
    # segment softmax over destination nodes
    emax = jax.ops.segment_max(e, dst, num_segments=n)
    emax = jnp.where(jnp.isfinite(emax), emax, 0.0)
    ex = jnp.exp(e - jnp.take(emax, dst, axis=0))
    denom = jax.ops.segment_sum(ex, dst, num_segments=n)
    alpha = ex / (jnp.take(denom, dst, axis=0) + 1e-16)  # [E', H]
    msg = xj * alpha[..., None]
    out = jax.ops.segment_sum(msg, dst, num_segments=n)  # [N, H, C]
    if concat:
        out = out.reshape(n, heads * out_ch)
    else:
        out = out.mean(axis=1)
    return out + bias


def reference(x, edge_index, Wl1, Wr1, att1, b1, Wl2, Wr2, att2, b2):
    h = gatv2_layer(x, edge_index, Wl1, Wr1, att1, b1, HEADS, HID, True)
    h = jax.nn.elu(h)
    out = gatv2_layer(h, edge_index, Wl2, Wr2, att2, b2, 1, EMBED, False)
    # flatten=True branch of the original forward
    return out.reshape(-1)

if __name__ == "__main__":
    import jax
    _d = setup_inputs()
    print(jax.jit(kernel)(*tuple(_d.values())))

</pallas_src>

<mosaic_0001>
module attributes {stable_mosaic.version = 14 : i64} {
  func.func @_mm_body(%arg0: i32, %arg1: memref<1000x8xf32, #tpu.memory_space<vmem>>, %arg2: memref<8x1024xf32, #tpu.memory_space<vmem>>, %arg3: memref<1000x1024xf32, #tpu.memory_space<vmem>>) attributes {dimension_semantics = [#tpu.dimension_semantics<arbitrary>], iteration_bounds = array<i64: 10>, scalar_prefetch = 0 : i64, scratch_operands = 0 : i64, tpu.core_type = #tpu.core_type<tc>, window_params = [{transform_indices = @transform_0, window_bounds = array<i64: 1000, 8>}, {pipeline_mode = #tpu.pipeline_mode<synchronous>, transform_indices = @transform_1, window_bounds = array<i64: 8, 1024>}, {transform_indices = @transform_2, window_bounds = array<i64: 1000, 1024>}]} {
    %get3A = arith.constant 0 : index
    %get3A_0 = arith.constant 0 : index
    %get3A_1 = vector.load %arg1[%get3A, %get3A_0] : memref<1000x8xf32, #tpu.memory_space<vmem>>, vector<1000x8xf32>
    %get3A_2 = arith.constant 0 : index
    %get3A_3 = arith.constant 0 : index
    %get3A_4 = vector.load %arg2[%get3A_2, %get3A_3] : memref<8x1024xf32, #tpu.memory_space<vmem>>, vector<8x1024xf32>
    %dot_general3A = arith.constant dense<0.000000e+00> : vector<1000x1024xf32>
    %dot_general3A_5 = tpu.matmul %get3A_1, %get3A_4, %dot_general3A {dimension_numbers = #tpu.dot_dimension_numbers<[1], [0], [0], [1], [0, 0, 1, 1], [], []>, transpose_lhs_hint = false} : vector<1000x8xf32>, vector<8x1024xf32>, vector<1000x1024xf32> -> vector<1000x1024xf32>
    %swap3A = arith.constant 0 : index
    %swap3A_6 = arith.constant 0 : index
    %swap3A_7 = vector.load %arg3[%swap3A, %swap3A_6] : memref<1000x1024xf32, #tpu.memory_space<vmem>>, vector<1000x1024xf32>
    tpu.vector_store %arg3[%swap3A, %swap3A_6], %dot_general3A_5 {strides = array<i32>} : memref<1000x1024xf32, #tpu.memory_space<vmem>>, vector<1000x1024xf32>,
    return
  }
  func.func @transform_0(%arg0: i32) -> (i32, i32) {
    %c0_i32 = arith.constant 0 : i32
    %c0_i32_0 = arith.constant 0 : i32
    return %arg0, %c0_i32 : i32, i32
  }
  func.func @transform_1(%arg0: i32) -> (i32, i32) {
    %c0_i32 = arith.constant 0 : i32
    %c0_i32_0 = arith.constant 0 : i32
    %c0_i32_1 = arith.constant 0 : i32
    return %c0_i32, %c0_i32_0 : i32, i32
  }
  func.func @transform_2(%arg0: i32) -> (i32, i32) {
    %c0_i32 = arith.constant 0 : i32
    %c0_i32_0 = arith.constant 0 : i32
    return %arg0, %c0_i32 : i32, i32
  }
}

module attributes {stable_mosaic.version = 14 : i64} {
  func.func @_mm_body(%arg0: i32, %arg1: memref<1000x512xf32, #tpu.memory_space<vmem>>, %arg2: memref<512x128xf32, #tpu.memory_space<vmem>>, %arg3: memref<1000x128xf32, #tpu.memory_space<vmem>>) attributes {dimension_semantics = [#tpu.dimension_semantics<arbitrary>], iteration_bounds = array<i64: 10>, scalar_prefetch = 0 : i64, scratch_operands = 0 : i64, tpu.core_type = #tpu.core_type<tc>, window_params = [{transform_indices = @transform_0, window_bounds = array<i64: 1000, 512>}, {pipeline_mode = #tpu.pipeline_mode<synchronous>, transform_indices = @transform_1, window_bounds = array<i64: 512, 128>}, {transform_indices = @transform_2, window_bounds = array<i64: 1000, 128>}]} {
    %get3A = arith.constant 0 : index
    %get3A_0 = arith.constant 0 : index
    %get3A_1 = vector.load %arg1[%get3A, %get3A_0] : memref<1000x512xf32, #tpu.memory_space<vmem>>, vector<1000x512xf32>
    %get3A_2 = arith.constant 0 : index
    %get3A_3 = arith.constant 0 : index
    %get3A_4 = vector.load %arg2[%get3A_2, %get3A_3] : memref<512x128xf32, #tpu.memory_space<vmem>>, vector<512x128xf32>
    %dot_general3A = arith.constant dense<0.000000e+00> : vector<1000x128xf32>
    %dot_general3A_5 = tpu.matmul %get3A_1, %get3A_4, %dot_general3A {dimension_numbers = #tpu.dot_dimension_numbers<[1], [0], [0], [1], [0, 0, 1, 1], [], []>, transpose_lhs_hint = false} : vector<1000x512xf32>, vector<512x128xf32>, vector<1000x128xf32> -> vector<1000x128xf32>
    %swap3A = arith.constant 0 : index
    %swap3A_6 = arith.constant 0 : index
    %swap3A_7 = vector.load %arg3[%swap3A, %swap3A_6] : memref<1000x128xf32, #tpu.memory_space<vmem>>, vector<1000x128xf32>
    tpu.vector_store %arg3[%swap3A, %swap3A_6], %dot_general3A_5 {strides = array<i32>} : memref<1000x128xf32, #tpu.memory_space<vmem>>, vector<1000x128xf32>,
    return
  }
  func.func @transform_0(%arg0: i32) -> (i32, i32) {
    %c0_i32 = arith.constant 0 : i32
    %c0_i32_0 = arith.constant 0 : i32
    return %arg0, %c0_i32 : i32, i32
  }
  func.func @transform_1(%arg0: i32) -> (i32, i32) {
    %c0_i32 = arith.constant 0 : i32
    %c0_i32_0 = arith.constant 0 : i32
    %c0_i32_1 = arith.constant 0 : i32
    return %c0_i32, %c0_i32_0 : i32, i32
  }
  func.func @transform_2(%arg0: i32) -> (i32, i32) {
    %c0_i32 = arith.constant 0 : i32
    %c0_i32_0 = arith.constant 0 : i32
    return %arg0, %c0_i32 : i32, i32
  }
}

</mosaic_0001>

<sc_bundles>
// kernel: scatter_offload_async_start.1
scs
__scs_entry_jumppad:
0x0: {  	(pc) =	sbr.rel $0x88, $3  }
0x1: {  	(tag) =	ssettag $0x0;
	lr =	simm.s32 $0x1  }
0x2: {  	[smem:$0x3F97] =	sst lr;
	_ =	strace $0xD0000000  }
0x3: {  	_ = 	snop  }
0x4: {  	_ = 	snop  }
0x5: {  	_ = 	snop  }
0x6: {  	_ = 	snop  }
0x7: {  	_ = 	snop  }
__scs_overlays_trampoline_lowered:
0x8: {  	[smem:$0x3FA6] =	sst s0  }
0x9: {  	[smem:$0x3FA7] =	sst s1  }
0xa: {  	[smem:$0x3FA8] =	sst s2  }
0xb: {  	[smem:$0x3FA9] =	sst s3  }
0xc: {  	[smem:$0x3FAA] =	sst s4  }
0xd: {  	[smem:$0x3FAB] =	sst s5  }
0xe: {  	[smem:$0x3FAC] =	sst s6  }
0xf: {  	[smem:$0x3FAD] =	sst s7  }
0x10: {  	[smem:$0x3FAE] =	sst s8  }
0x11: {  	[smem:$0x3FAF] =	sst s9;
	s0 =	simm.s32 @!p0 $0x0  }
0x12: {  	s1 =	sld [smem:$0x3F95];
	s0 =	simm.s32 @p0 $0x1  }
0x13: {  	[smem:$0x3FB0] =	sst s0;
	s0 =	simm.s32 @!p1 $0x0  }
0x14: {  	s2 =	sld [smem:$0x3F94];
	s0 =	simm.s32 @p1 $0x1  }
0x15: {  	[smem:$0x3FB1] =	sst s0;
	s0 =	simm.s32 @!p2 $0x0  }
0x16: {  	s3 =	sld [smem:$0x3FDB];
	s0 =	simm.s32 @p2 $0x1  }
0x17: {  	s4 =	simm.s32 $0x1BF5;
	[smem:$0x3FB3] =	sst s0  }
0x18: {  	s0 =	sld [smem:$0x3F96];
	_ =	swait.ge [sflag:s4], $0x0  }
0x19: {  	s7 =	sld [smem:$0x3F97]  }
0x1a: {  	s8 =	sadd.s32 $0xFFFFE003, lr  }
0x1b: {  	s9 =	sadd.s32 $0xFFFFFEF7, lr;
	s5 =	simm.s32 $0xFFFFFFFF;
	p2 =	slt.u32 s8, $0xFFFFF086  }
0x1c: {  	p1 =	slt.u32 s9, $0xF7A;
	s5 =	simm.s32 @!p2 $0x0  }
0x1d: {  	s5 =	simm.s32 @p1 $0x1;
	p0 =	seq.s32 s7, s2  }
0x1e: {  	s7 =	smul.u32 @!p0 $0xF7A, s2;
	p2 =	seq.s32 @!p0 s5, $0x0  }
0x1f: {  	s9 =	smul.u32 $0xF7A, s1;
	s8 =	simm.s32 @!p0 $0x1BF5;
	p2 =	por !p2, p0  }
0x20: {  	[sflag:s8] =	ssyncset.s32 @!p0 $0xFFFFF086;
	s6 =	sadd.s32 @!p0 s3, s7;
	s7 =	simm.s32 @!p0 $0x108  }
0x21: {  	s3 =	sadd.s32 s3, s9;
	s6 =	sadd.s32 @!p0 $0x88, s6;
	s7 =	simm.s32 @p2 $0x1082  }
0x22: {  	[simem:s7], [sflag:s8] =	dma.local @!p0 [hbm:s6], $0xF7A  }
0x23: {  	s9 =	sor.u32 $0xD0000000, s2;
	s6 =	simm.s32 $0x108;
	_ =	swait.ge @!p0 [sflag:s8], $0x0  }
0x24: {  	s3 =	sadd.s32 $0x88, s3;
	s6 =	simm.s32 @!p1 $0x1082;
	[sflag:s4] =	ssyncset.s32 $0xFFFFF086  }
0x25: {  	[simem:s6], [sflag:s4] =	dma.local [hbm:s3], $0xF7A  }
0x26: {  	[smem:$0x3F97] =	sst s1;
	(tag) =	ssettag s2;
	_ =	strace s9  }
0x27: {  	s1 =	sld [smem:$0x3FA7]  }
0x28: {  	s2 =	sld [smem:$0x3FA8]  }
0x29: {  	s4 =	sld [smem:$0x3FAA]  }
0x2a: {  	p0 =	seq.s32 s5, $0x0;
	s5 =	sld [smem:$0x3FAB]  }
0x2b: {  	s6 =	sld [smem:$0x3FAC]  }
0x2c: {  	s7 =	sld [smem:$0x3FAD]  }
0x2d: {  	s3 =	simm.s32 $0x108;
	s8 =	sld [smem:$0x3FAE]  }
0x2e: {  	s3 =	simm.s32 @!p0 $0x1082;
	s9 =	sld [smem:$0x3FAF]  }
0x2f: {  	lr =	sadd.s32 s0, s3;
	s0 =	sld [smem:$0x3FA6]  }
0x30: {  	s3 =	sld [smem:$0x3FA9]  }
0x31: {  	[smem:$0x3FB2] =	sst s10  }
0x32: {  	s10 =	sld [smem:$0x3FB0];
	_ =	sdelay $0x3  }
0x33: {  	p0 =	seq.s32 s10, $0x1;
	s10 =	sld [smem:$0x3FB2];
	_ =	sdelay $0x3  }
0x34: {  	[smem:$0x3FB2] =	sst s10  }
0x35: {  	s10 =	sld [smem:$0x3FB1];
	_ =	sdelay $0x3  }
0x36: {  	p1 =	seq.s32 s10, $0x1;
	s10 =	sld [smem:$0x3FB2];
	_ =	sdelay $0x3  }
0x37: {  	[smem:$0x3FB2] =	sst s10  }
0x38: {  	s10 =	sld [smem:$0x3FB3]  }
0x39: {  	_ = 	snop;
	(pc) =	sbr.ind lr, $3  }
0x3a: {  	_ = 	snop  }
0x3b: {  	_ = 	snop  }
0x3c: {  	p2 =	seq.s32 s10, $0x1;
	s10 =	sld [smem:$0x3FB2]  }
0x3d: {  	_ =	shalt  }
0x3e: {  	_ =	shalt  }
0x3f: {  	_ =	shalt  }
0x40: {  	_ =	shalt  }
0x41: {  	_ =	shalt  }
0x42: {  	_ =	shalt  }
0x43: {  	_ =	shalt  }
0x44: {  	_ =	shalt  }
0x45: {  	_ =	shalt  }
0x46: {  	_ =	shalt  }
0x47: {  	_ =	shalt  }
0x48: {  	_ =	shalt  }
0x49: {  	_ =	shalt  }
0x4a: {  	_ =	shalt  }
0x4b: {  	_ =	shalt  }
0x4c: {  	_ =	shalt  }
0x4d: {  	_ =	shalt  }
0x4e: {  	_ =	shalt  }
0x4f: {  	_ =	shalt  }
0x50: {  	_ =	shalt  }
0x51: {  	_ =	shalt  }
0x52: {  	_ =	shalt  }
0x53: {  	_ =	shalt  }
0x54: {  	_ =	shalt  }
0x55: {  	_ =	shalt  }
0x56: {  	_ =	shalt  }
0x57: {  	_ =	shalt  }
0x58: {  	_ =	shalt  }
0x59: {  	_ =	shalt  }
0x5a: {  	_ =	shalt  }
0x5b: {  	_ =	shalt  }
0x5c: {  	_ =	shalt  }
0x5d: {  	_ =	shalt  }
0x5e: {  	_ =	shalt  }
0x5f: {  	_ =	shalt  }
0x60: {  	_ =	shalt  }
0x61: {  	_ =	shalt  }
0x62: {  	_ =	shalt  }
0x63: {  	_ =	shalt  }
0x64: {  	_ =	shalt  }
0x65: {  	_ =	shalt  }
0x66: {  	_ =	shalt  }
0x67: {  	_ =	shalt  }
0x68: {  	_ =	shalt  }
0x69: {  	_ =	shalt  }
0x6a: {  	_ =	shalt  }
0x6b: {  	_ =	shalt  }
0x6c: {  	_ =	shalt  }
0x6d: {  	_ =	shalt  }
0x6e: {  	_ =	shalt  }
0x6f: {  	_ =	shalt  }
0x70: {  	_ =	shalt  }
0x71: {  	_ =	shalt  }
0x72: {  	_ =	shalt  }
0x73: {  	_ =	shalt  }
0x74: {  	_ =	shalt  }
0x75: {  	_ =	shalt  }
0x76: {  	_ =	shalt  }
0x77: {  	_ =	shalt  }
0x78: {  	_ =	shalt  }
0x79: {  	_ =	shalt  }
0x7a: {  	_ =	shalt  }
0x7b: {  	_ =	shalt  }
0x7c: {  	_ =	shalt  }
0x7d: {  	_ =	shalt  }
0x7e: {  	_ =	shalt  }
0x7f: {  	_ =	shalt  }
0x80: {  	_ =	shalt  }
0x81: {  	_ =	shalt  }
0x82: {  	_ =	shalt  }
0x83: {  	_ =	shalt  }
0x84: {  	_ =	shalt  }
0x85: {  	_ =	shalt  }
0x86: {  	_ =	shalt  }
0x87: {  	_ =	shalt  }
.Lfunc_end0:
.L_simem_size_0:
called_computation.1_lowered:
.L_overlay_start_0:
0x88: {  	s0 =	sld [smem:$0x3FD9]  }
0x89: {  	s1 =	sld [smem:$0x3FFE];
	_ =	sdelay $0x3  }
0x8a: {  	s0 =	sadd.s32 s1, s0  }
0x8b: {  	[smem:$0x3FBE] =	sst s0  }
0x8c: {  	_ = 	snop  }
0x8d: {  	s0 =	sld [smem:$0x3FD0];
	(tm) =	ssettm $0x1  }
0x8e: {  	s16 =	sld [smem:$0x3FFB];
	_ =	sdelay $0x3  }
0x8f: {  	_ =	strace s16  }
0x90: {  	s1 =	sld [smem:$0x3FFC];
	_ =	sdelay $0x3  }
0x91: {  	_ =	strace s1  }
0x92: {  	s1 =	sld [smem:$0x3FFD];
	_ =	sdelay $0x3  }
0x93: {  	_ =	strace s1  }
0x94: {  	_ =	strace $0x8FFFFFFF  }
0x95: {  	s17 =	sld [smem:$0x3FDB];
	_ =	sdelay $0x1  }
0x96: {  	s2 =	simm.s32 $_scs_section_size  }
0x97: {  	s3 =	simm.s32 $_size__tile_overlayer_lowered;
	s4 =	simm.s32 $_tile_overlayer_lowered  }
0x98: {  	s20 =	simm.s32 $0x1BFF;
	s19 =	sshll.u32 s4, $0x1;
	s1 =	sadd.s32 s2, s17  }
0x99: {  	s5 =	simm.s32 $0x0;
	s18 =	sshll.u32 s3, $0x1;
	s3 =	sadd.s32 s19, s1  }
0x9a: {  	[timem:s5], [sflag:s20] =	dma.local [hbm:s3], s18  }
0x9b: {  	_ =	swait.ge [sflag:s20], s18  }
0x9c: {  	s2 =	ssub.s32 $0x0, s18;
	[sflag:s20] =	ssyncset.done $0x0  }
0x9d: {  	[sflag:s20] =	ssyncadd.s32 s2;
	_ =	sdelay $0x1  }
0x9e: {  	s21 =	simm.s32 $0x1B8B  }
0x9f: {  	_ =	swait.ge [sflag:s21], $0x1  }
0xa0: {  	[sflag:s21] =	ssyncset.done $0x0  }
0xa1: {  	s23 =	simm.s32 $0x1B8E;
	s22 =	sld [smem:$0x3FFE];
	[sflag:s21] =	ssyncadd.s32 $0xFFFFFFFF  }
0xa2: {  	s24 =	simm.s32 $execute0_lowered;
	[smem:$0x3FD2] =	sst s23  }
0xa3: {  	s3 =	sshll.u32 s24, $0x1;
	_ =	strace $0x80000049;
	[dreg:$0x1] =	wrdreg $0xFFFFFFFF  }
0xa4: {  	s25 =	simm.s32 $_size_execute0_lowered;
	s1 =	sadd.s32 s1, s3;
	[dreg:$0x0] =	wrdreg $0x0  }
0xa5: {  	s3 =	sshll.u32 s25, $0x1;
	[dreg:$0x2] =	wrdreg s1  }
0xa6: {  	[dreg:$0x3] =	wrdreg s3  }
0xa7: {  	[dreg:$0x4] =	wrdreg $0xC0  }
0xa8: {  	_ =	task [dreg:s5], $0x5FFFF  }
0xa9: {  	[dreg:$0x1] =	wrdreg $0xFFFFFFFF  }
0xaa: {  	[dreg:$0x0] =	wrdreg $0x60  }
0xab: {  	[dreg:$0x2] =	wrdreg s22  }
0xac: {  	[dreg:$0x3] =	wrdreg s0  }
0xad: {  	[dreg:$0x4] =	wrdreg $0x9  }
0xae: {  	_ =	task.clear_ibuf [dreg:s5], $0x5FFFF;
	_ =	strace $0x90000049  }
0xaf: {  	s26 =	simm.s32 $0x9;
	_ =	strace $0x8000004B  }
0xb0: {  	_ =	swait.ge [sflag:s26], $0x1  }
0xb1: {  	[sflag:s26] =	ssyncadd.s32 $0xFFFFFFFF  }
0xb2: {  	_ =	strace $0x9000004B  }
0xb3: {  	_ =	sfence  }
0xb4: {  	s28 =	sld [smem:$0x0];
	_ =	sdelay $0x1  }
0xb5: {  	s29 =	srdreg.scid  }
0xb6: {  	s30 =	sshll.u32 s29, $0xD;
	s31 =	sshrl.u32 s29, $0x2  }
0xb7: {  	s2 =	sand.u32 $0x4000, s30;
	s1 =	sand.u32 $0x1, s29;
	s0 =	sadd.s32 s31, s28  }
0xb8: {  	s1 =	sor.u32 s2, s1;
	s0 =	sshll.u32 s0, $0x11  }
0xb9: {  	s0 =	sor.u32 s0, s1  }
0xba: {  	s0 =	sadd.s32 $0x8F2B, s0  }
0xbb: {  	[sflag:s0] =	ssyncadd.remote.s32 $0x1  }
0xbc: {  	_ =	sfence.sel $0xFFFF  }
0xbd: {  	[dreg:$0x0] =	wrdreg $0xFFFFFFFF;
	(pc) =	sbr.abs _section_cstart, $3  }
0xbe: {  	[dreg:$0x1] =	wrdreg $0xFFFFFFFF  }
0xbf: {  	_ =	task.clear_ibuf [dreg:s5], $0x2FFFF;
	_ =	strace $0x9FFFFFFF  }
0xc0: {  	(tm) =	ssettm $0x7FFFFFFF  }
0xc1: {  	_ =	shalt  }
tec
execute0_lowered:
.L_overlay_start_1:
0x0: {  	(tag) =	ssettag $0x1  }
0x1: {  	s1 =	rddreg [dreg:$0x0]  }
0x2: {  	s3 =	stileid.u32;
	_ =	strace $0x8000004A;
	s0 =	simm.s32 $0x1  }
0x3: {  	v1 =	vimm.s32 $0xFFFFFFFF;
	s2 =	smin.u32 s3, $0x9;
	[sflag:s0] =	ssyncpa.u1 $0x0  }
0x4: {  	s2 =	sadd.s32 s3, s2;
	[tilespmem:$0x10] =	vst v1  }
0x5: {  	v0 =	vimm.f32 $0.0e+00;
	p0 =	slt.u32 s3, $0x9;
	[tilespmem:$0x20] =	vst v1;
	s4 =	smul.u32 $0x1A90, s2;
	s2 =	simm.s32 $0x3520  }
0x6: {  	[tilespmem:$0x30] =	vst v0;
	s2 =	simm.s32 @!p0 $0x1A90  }
0x7: {  	[tilespmem:$0x40] =	vst v0;
	s2 =	sadd.s32 s2, s4  }
0x8: {  	[tilespmem:$0x50] =	vst v0;
	s5 =	smin.u32 s2, $0x29810  }
0x9: {  	s7 =	simm.s32 $0x2;
	[tilespmem:$0x60] =	vst v1;
	s2 =	ssub.s32 s5, s4  }
0xa: {  	s8 =	simm.s32 $0x8;
	s31 =	simm.s32 $0x9;
	[tilespmem:$0x70] =	vst v1;
	p0 =	sgt.s32 s2, $0x0  }
0xb: {  	s16 =	simm.s32 $0x0;
	s17 =	simm.s32 $0xF0;
	[tilespmem:$0x80] =	vst v1;
	s2 =	simm.s32 @!p0 $0x0  }
0xc: {  	s18 =	simm.s32 $0xFFFFFFFF;
	s19 =	simm.s32 $0xFFFFCBE0;
	v1 =	vimm.s32 $0x0;
	[tilespmem:$0xB0] =	vst v0;
	s6 =	smulhi.u32 $0x134679AD, s2  }
0xd: {  	s20 =	simm.s32 $0xFFFFFFFE;
	s21 =	simm.s32 $0xF;
	s25 =	simm.s32 $0x0;
	[tilespmem:$0x90] =	vst v1  }
0xe: {  	[tilespmem:$0xA0] =	vst v1;
	[sflag:s7] =	ssyncpa.u1 $0x0;
	s7 =	simm.s32 $0x7;
	s9 =	sshrl.u32 s6, $0x9  }
0xf: {  	s24 =	simm.s32 $0x0;
	[sflag:s7] =	ssyncpa.u1 $0x0;
	s10 =	smul.u32 $0x1A90, s9  }
.Ltmp0:
0x10: {  	s14 =	sshllo.u32 s3, $0x1;
	[sflag:s8] =	ssyncpa.u1 $0x0;
	(pc) =	sbr.rel .LBB2_1-.Ltmp0, $4  }
0x11: {  	s23 =	smov.u32 s4;
	[sflag:s31] =	ssyncpa.u1 $0x0;
	p0 =	sne.s32 s2, s10  }
0x12: {  	s6 =	sadd.s32 $0xD400, s1;
	s10 =	sshll.u32 s3, $0x1;
	s0 =	simm.s32 @!p0 $0x0  }
0x13: {  	vm0 =	vmmov $0xffff;
	v2 =	vlaneseq.u32;
	s13 =	sor.u32 $0x81, s10;
	s15 =	sor.u32 $0x80, s10;
	s9 =	sadd.s32 s0, s9  }
0x14: {  	vm1 =	vmxor vm1, vm1;
	vm2 =	vmmov $0x1;
	vm3 =	vcmask $0x3F3C;
	p0 =	por $0x0, $0x0;
	s11 =	sadd.s32 $0x1, s9;
	s12 =	sadd.s32 $0x2, s9  }
.LBB2_9:
0x15: {  	p1 =	slt.u32 s24, $0x3  }
0x16: {  	s0 =	simm.s32 @!p1 $0x2  }
0x17: {  	_ =	swait.ge @!p1 [sflag:s0], $0x1A90  }
0x18: {  	[sflag:s0] =	ssyncset.done @!p1 $0x0  }
0x19: {  	[sflag:s0] =	ssyncadd.s32 @!p1 $0xFFFFE570;
	s0 =	simm.s32 @!p1 $0x9  }
0x1a: {  	_ =	swait.ge @!p1 [sflag:s0], $0x10  }
0x1b: {  	[sflag:s0] =	ssyncset.done @!p1 $0x0  }
0x1c: {  	[sflag:s0] =	ssyncadd.s32 @!p1 $0xFFFFFFF0;
	p1 =	sne.s32 s24, s12  }
.Ltmp1:
0x1d: {  	s2 =	sadd.s32 $0x1A90, s23;
	(pc) =	sbr.rel @!p1 .LBB2_10-.Ltmp1, $4  }
0x1e: {  	s3 =	smov.u32 s4;
	s31 =	sadd.s32 $0x1, s24;
	s17 =	sadd.s32 $0x1A90, s17  }
0x1f: {  	s18 =	sadd.s32 $0x1, s18;
	s25 =	smov.u32 s23;
	p2 =	slt.s32 s2, s5  }
0x20: {  	p0 =	por !p0, !p0;
	s19 =	sadd.s32 $0x1A90, s19;
	s3 =	smov.u32 @p2 s2  }
0x21: {  	s20 =	sadd.s32 $0x1, s20;
	s23 =	smov.u32 s3;
	s24 =	smov.u32 s31  }
.LBB2_1:
0x22: {  	p1 =	sge.u32 s24, s9  }
0x23: {  	s0 =	smulhi.u32 @!p1 $0xAAAAAAAB, s24;
	_ =	sdelay $0x1  }
0x24: {  	s0 =	sshrl.u32 @!p1 s0, $0x1  }
0x25: {  	s0 =	smul.u32 @!p1 $0x3, s0;
	_ =	sdelay $0x1  }
0x26: {  	s0 =	ssub.s32 @!p1 s24, s0  }
0x27: {  	s0 =	smul.u32 @!p1 $0x6A40, s0;
	_ =	sdelay $0x1  }
0x28: {  	s3 =	rddreg [dreg:$0x1];
	s2 =	sshrl.u32 @!p1 s23, $0x3;
	s0 =	sshrl.u32 @!p1 s0, $0x2  }
0x29: {  	s22 =	sand.u32 @!p1 $0x7, s23;
	s2 =	sadd.s32 @!p1 s3, s2;
	s0 =	sadd.s32 @!p1 $0x100, s0  }
0x2a: {  	[tilespmem:s0], [sflag:$0x7] =	stream.linear.gather @!p1 [hbm4b:s2+s22], $0x1A90, $0x38;
	[tilespmem:$0xF030] =	vst v63  }
0x2b: {  	s0 =	sadd.s32 $0xFFFFFFFF, s24  }
0x2c: {  	p1 =	sge.u32 s0, s9  }
.Ltmp2:
0x2d: {  	_ = 	snop;
	(pc) =	sbr.rel @p1 .LBB2_5-.Ltmp2, $1  }
0x2e: {  	_ =	sdelay $0x3  }
0x2f: {  	s2 =	smulhi.u32 $0xAAAAAAAB, s0;
	_ =	sdelay $0x1  }
0x30: {  	s2 =	sshrl.u32 s2, $0x1  }
0x31: {  	s2 =	smul.u32 $0x3, s2;
	_ =	sdelay $0x1  }
0x32: {  	s2 =	ssub.s32 s0, s2  }
0x33: {  	s2 =	smul.u32 $0x6A40, s2  }
0x34: {  	_ =	swait.ge [sflag:s7], $0x1A90  }
0x35: {  	[sflag:s7] =	ssyncset.done $0x0;
	s2 =	sshrl.u32 s2, $0x2  }
0x36: {  	[sflag:s7] =	ssyncadd.s32 $0xFFFFE570;
	(ifvalue) =	ssetifvalue $0xFFFFFFFF;
	v3 =	vld.msk [tilespmem:s2+$0x100 ss:$0x1], $0xffff;
	_ =	sdelay $0x2  }
0x37: {  	s30 =	smulhi.u32 $0xAAAAAAAB, s18;
	p1 =	sne.s32 s24, $0x1  }
0x38: {  	v4 =	vimm.s32 @!p1 $0x0  }
0x39: {  	s2 =	sshrl.u32 s30, $0x1;
	v4 =	vperm.xlane @!p1 v3, v4  }
0x3a: {  	s22 =	sshll.u32 s24, $0x4;
	s2 =	smul.u32 $0xFFFEC140, s2;
	vm4 =	vlt.u32 v3, $0x2800  }
0x3b: {  	s22 =	sand.u32 $0x10, s22;
	v3 =	vnsel vm4, $0xFFFFFFFE, v3;
	vm4 =	vlt.u32 @!p1 v4, $0x2800  }
0x3c: {  	s2 =	sshra.s32 s2, $0x2;
	[tilespmem:s22+$0x60] =	vst v3;
	v3 =	vnsel @!p1 vm4, $0xFFFFFFFE, v4  }
0x3d: {  	s28 =	sadd.s32 s2, s17;
	[tilespmem:$0x80] =	vst @!p1 v3  }
0x3e: {  	v3 =	vld.msk [tilespmem:s28+$0x0 ss:$0x1], $0xffff;
	_ =	sdelay $0x4  }
0x3f: {  	(xrf1) =	vunique.msk.u32 $0xffff, v3;
	_ =	sdelay $0xd  }
0x40: {  	v4 =	vimm.s32 $0xFFFFFFFF;
	v5, _, _ =	vpop (xrf1)  }
0x41: {  	vm5 =	vne.s32 v3, v4;
	vm4 =	veq.s32 v5, v2  }
0x42: {  	vm6 =	vlt.u32 v3, $0x2800;
	vm4 =	vmand vm5, vm4  }
0x43: {  	vm4 =	vmand vm6, vm4  }
0x44: {  	v4 =	vnsel vm4, $0xFFFFFFFF, v3  }
0x45: {  	s31 =	sand.u32 $0x1, s0  }
0x46: {  	s0 =	simm.s32 $0x1A90;
	p1 =	seq.s32 s31, $0x1  }
0x47: {  	s0 =	simm.s32 @!p1 $0x0  }
0x48: {  	s26 =	sadd.s32 $0x6B30, s0;
	(ifvalue) =	ssetifvalue $0xFFFFFFFF  }
0x49: {  	v3 =	vperm.xlane v3, v1;
	[tilespmem:s26], [sflag:$0x8] =	stream.indirect_vreg.gather [hbm4b:s1+s16], $0x1, v4, vm0, $0x4038;
	v4 =	vnsel vm6, $0xFFFFFFFE, v4;
	[tilespmem:$0xF030] =	vst v63  }
0x4a: {  	s2 =	simm.s32 $0x0;
	s22 =	sadd.s32 $0xFFFFFFF0, s28;
	[tilespmem:s28+$0x0] =	vst v4  }
.LBB2_3:
0x4b: {  	v4 =	vld.msk [tilespmem:s22+$0x0 ss:$0x1], $0xffff;
	s2 =	sadd.s32 $0x10, s2;
	v5 =	vmov v3;
	s28 =	smov.u32 s22  }
0x4c: {  	p1 =	slt.u32 s2, $0x1A80;
	_ =	sdelay $0x4  }
0x4d: {  	v3 =	vperm.xlane v4, v1;
	(xrf1) =	vunique.msk.u32 $0xffff, v4;
	_ =	sdelay $0xd  }
0x4e: {  	v6, _, _ =	vpop (xrf1)  }
0x4f: {  	vm5 =	vne.s32 v4, v5;
	vm4 =	veq.s32 v6, v2  }
0x50: {  	vm6 =	vlt.u32 v4, $0x2800;
	vm4 =	vmand vm5, vm4  }
0x51: {  	vm4 =	vmand vm6, vm4  }
0x52: {  	v4 =	vnsel vm4, $0xFFFFFFFF, v4  }
.Ltmp3:
0x53: {  	v5 =	vnsel vm6, $0xFFFFFFFE, v4;
	(pc) =	sbr.rel @p1 .LBB2_3-.Ltmp3, $3  }
0x54: {  	_ =	sdelay $0x1  }
0x55: {  	s22 =	sadd.s32 $0xFFFFFFF0, s22;
	s26 =	sadd.s32 $0xFFFFFFF0, s26;
	(ifvalue) =	ssetifvalue $0xFFFFFFFF  }
0x56: {  	[tilespmem:s26], [sflag:$0x8] =	stream.indirect_vreg.gather [hbm4b:s1+s16], $0x1, v4, vm0, $0x4038;
	[tilespmem:s28+$0x0] =	vst v5  }
0x57: {  	s2 =	sshrl.u32 s25, $0x3  }
0x58: {  	s0 =	sadd.s32 $0x85D0, s0;
	s2 =	sadd.s32 s6, s2  }
0x59: {  	[tilespmem:s0], [sflag:$0x8] =	stream.linear.gather [hbm:s2], $0x1A90, $0x38;
	[tilespmem:$0xF030] =	vst v63  }
.LBB2_5:
0x5a: {  	p1 =	slt.u32 s24, $0x2  }
0x5b: {  	p2 =	sge.u32 @!p1 s24, s12  }
0x5c: {  	p1 =	por p1, p2  }
.Ltmp4:
0x5d: {  	_ = 	snop;
	(pc) =	sbr.rel @p1 .LBB2_9-.Ltmp4, $1  }
0x5e: {  	_ =	sdelay $0x3  }
0x5f: {  	s0 =	sadd.s32 $0xFFFFFFFE, s24  }
0x60: {  	s2 =	smulhi.u32 $0xAAAAAAAB, s0;
	_ =	sdelay $0x1  }
0x61: {  	s2 =	sshrl.u32 s2, $0x1  }
0x62: {  	s2 =	smul.u32 $0x3, s2;
	_ =	sdelay $0x1  }
0x63: {  	s0 =	ssub.s32 s0, s2  }
0x64: {  	_ =	swait.ge [sflag:s8], $0x3520;
	s0 =	smul.u32 $0x1A90, s0  }
0x65: {  	p1 =	sne.s32 s24, s11;
	[sflag:s8] =	ssyncset.done $0x0  }
0x66: {  	[sflag:s8] =	ssyncadd.s32 $0xFFFFCAE0;
	s2 =	sadd.s32 @!p1 $0x1B8F, s0  }
0x67: {  	[spmem:s13] =	stream.linear.scatter @!p1 [tilespmem:s2], [sflag:$0x1], $0x1, $0x38;
	[tilespmem:$0xF030] =	vst v63  }
0x68: {  	s2 =	simm.s32 @!p1 $0x1  }
0x69: {  	_ =	swait.ge @!p1 [sflag:s2], $0x1  }
0x6a: {  	s22 =	sshll.u32 s24, $0x4;
	[sflag:s2] =	ssyncset.done @!p1 $0x0  }
0x6b: {  	s25 =	sand.u32 $0x10, s22;
	[sflag:s2] =	ssyncadd.s32 @!p1 $0xFFFFFFFF  }
0x6c: {  	s2 =	sxor.u32 $0x10, s25;
	v4 =	vld [tilespmem:s25+$0x10]  }
0x6d: {  	v5 =	vld [tilespmem:s2+$0x60]  }
0x6e: {  	v3 =	vld [tilespmem:$0x80];
	_ =	sdelay $0x2  }
0x6f: {  	(v2sf) =	vpush v4, $0x0  }
0x70: {  	(v2sf) =	vpush v5, $0x0  }
0x71: {  	(v2sf) =	vpush v3, $0x0;
	_ =	sdelay $0xc  }
0x72: {  	s3 =	spop (v2sf)  }
0x73: {  	s28 =	spop (v2sf)  }
0x74: {  	s26 =	spop (v2sf)  }
0x75: {  	p2 =	seq.s32 s3, s28;
	p3 =	seq.s32 s26, s3  }
0x76: {  	p3 =	por p2, p3  }
0x77: {  	s3 =	sand.u32 $0x1, s24;
	v4 =	vpsel p3, $0xFFFFFFFF, v4  }
0x78: {  	s28 =	smul.u32 $0x1A90, s3;
	[tilespmem:s25+$0x10] =	vst.msk $0x1, v4  }
0x79: {  	v4 =	vld [tilespmem:$0x30]  }
0x7a: {  	v5 =	vld [tilespmem:s28+$0x85D0]  }
0x7b: {  	v6 =	vld [tilespmem:s25+$0x40];
	_ =	sdelay $0x3  }
0x7c: {  	vm4 =	vmmov vm1;
	v5 =	vadd.f32 v5, v4  }
0x7d: {  	vm5 =	vmmov vm2;
	vm4 =	vmmov @p2 vm2;
	v4 =	vadd.f32 v6, v4  }
0x7e: {  	s22 =	sshll.u32 s3, $0x4;
	vm5 =	vmmov @p3 vm1;
	[tilespmem:s28+$0x85D0] =	vst.msk vm4, v5  }
0x7f: {  	[tilespmem:s22+$0xF010] =	vst.msk vm5, v4  }
0x80: {  	v4 =	vld [tilespmem:s28+$0x6B30];
	_ =	sdelay $0x3  }
0x81: {  	v5 =	vimm.f32 $0.0e+00  }
0x82: {  	v4 =	vshift.insert v4, v5, s21  }
0x83: {  	s29 =	sor.u32 $0x40, s2  }
0x84: {  	[tilespmem:s29+$0x0] =	vst.msk $0x1, v4  }
0x85: {  	[tilespmem:s28+$0x6B3F] =	vst.msk $0x1, v5  }
0x86: {  	v4 =	vld [tilespmem:s0+$0x1B80];
	_ =	sdelay $0x1  }
0x87: {  	s29 =	smulhi.u32 $0xAAAAAAAB, s20;
	s0 =	simm.s32 $0x1  }
0x88: {  	s0 =	simm.s32 @!p0 $0x0  }
0x89: {  	s29 =	sshrl.u32 s29, $0x1;
	s0 =	smul.u32 $0x6A40, s0  }
0x8a: {  	s29 =	smul.u32 $0xFFFEC140, s29;
	v4 =	vshift.insert v4, v1, s21  }
0x8b: {  	s0 =	sshrl.u32 s0, $0x2  }
0x8c: {  	s29 =	sshra.s32 s29, $0x2;
	s30 =	sadd.s32 $0x85D0, s0;
	[tilespmem:s2+$0x10] =	vst.msk $0x1, v4  }
0x8d: {  	s3 =	sadd.s32 s29, s19;
	v6 =	vld [tilespmem:s30+$0x0]  }
0x8e: {  	v7 =	vld [tilespmem:s3+$0x0];
	_ =	sdelay $0x3  }
0x8f: {  	v5 =	vadd.f32 v6, v5  }
0x90: {  	vm4 =	vne.s32 v7, $0xFFFFFFFF  }
0x91: {  	(xrf2) =	vadd.seg.scan.f32 vm4, v5;
	_ =	sdelay $0x3  }
0x92: {  	s31 =	sadd.s32 $0x50B0, s0;
	v5 =	vperm.xlane v4, v1  }
0x93: {  	v6 =	vld [tilespmem:s31+$0x0]  }
0x94: {  	vm5 =	veq.s32 v7, v3;
	vm6 =	veq.s32 v7, v5  }
0x95: {  	vm7 =	vgt.u32 v7, $0xFFFFFFFD;
	vm6 =	vmor vm6, vm5  }
0x96: {  	vm6 =	vmor vm6, vm7  }
0x97: {  	v9 =	vld [tilespmem:$0xA0];
	v7 =	vsel vm6, $0xFFFFFFFF, v7  }
0x98: {  	v10 =	vld [tilespmem:$0x90];
	v6 =	vsel vm5, $0x0, v6;
	v8, _, _ =	vpop (xrf2)  }
0x99: {  	v6 =	vadd.f32 v8, v6  }
0x9a: {  	s0 =	sadd.s32 $0xBAF0, s0  }
0x9b: {  	vm4 =	vmand vm4, vm3;
	[tilespmem:s0+$0x0] =	vst v6;
	(ifvalue) =	ssetifvalue $0xFFFFFFFF  }
0x9c: {  	vm6 =	veq.s32 v9, $0x1;
	[hbm4b:s1+s16] =	stream.indirect_vreg.scatter [tilespmem:s0], [sflag:$0x2], $0x1, v7, vm0, $0x4038;
	v7 =	vsel vm4, $0x0, v8;
	[tilespmem:$0xF030] =	vst v63  }
0x9d: {  	s29 =	sadd.s32 $0xF010, s22;
	s22 =	sadd.s32 $0x10, s3;
	s2 =	simm.s32 $0x0;
	vm4 =	vmor vm6, vm5;
	v6 =	vsel vm5, v8, v10;
	v7 =	vshift.insert v7, v0, s21  }
.LBB2_7:
0x9e: {  	v8 =	vld [tilespmem:s22+$0x0];
	s30 =	sadd.s32 $0x10, s30  }
0x9f: {  	s31 =	sadd.s32 $0x10, s31;
	v9 =	vld [tilespmem:s30+$0x0]  }
0xa0: {  	s2 =	sadd.s32 $0x10, s2;
	v10 =	vld [tilespmem:s31+$0x0]  }
0xa1: {  	p2 =	slt.u32 s2, $0x1A80;
	_ =	sdelay $0x2  }
0xa2: {  	v7 =	vadd.f32 v9, v7  }
0xa3: {  	vm5 =	vne.s32 v8, $0xFFFFFFFF  }
0xa4: {  	vm6 =	vmand vm5, vm3;
	(xrf2) =	vadd.seg.scan.f32 vm5, v7;
	_ =	sdelay $0x5  }
0xa5: {  	vm7 =	veq.s32 v8, v5;
	vm5 =	veq.s32 v8, v3  }
0xa6: {  	vm8 =	vgt.u32 v8, $0xFFFFFFFD;
	vm4 =	vmor vm4, vm5;
	vm7 =	vmor vm7, vm5  }
0xa7: {  	vm7 =	vmor vm7, vm8  }
0xa8: {  	v8 =	vsel vm7, $0xFFFFFFFF, v8  }
.Ltmp5:
0xa9: {  	v7 =	vsel vm5, $0x0, v10;
	v9, _, _ =	vpop (xrf2);
	(pc) =	sbr.rel @p2 .LBB2_7-.Ltmp5, $4  }
0xaa: {  	v6 =	vsel vm5, v9, v6;
	v10 =	vadd.f32 v9, v7;
	v7 =	vsel vm6, $0x0, v9  }
0xab: {  	s0 =	sadd.s32 $0x10, s0;
	v7 =	vshift.insert v7, v0, s21  }
0xac: {  	s22 =	sadd.s32 $0x10, s22;
	[tilespmem:s0+$0x0] =	vst v10;
	(ifvalue) =	ssetifvalue $0xFFFFFFFF  }
0xad: {  	[hbm4b:s1+s16] =	stream.indirect_vreg.scatter [tilespmem:s0], [sflag:$0x2], $0x1, v8, vm0, $0x4038;
	[tilespmem:$0xF030] =	vst v63  }
0xae: {  	v3 =	vld [tilespmem:s28+$0xD570];
	_ =	sdelay $0x4  }
0xaf: {  	v3 =	vshift.insert v3, v0, s21  }
0xb0: {  	s0 =	simm.s32 $0x30  }
0xb1: {  	[tilespmem:s0+$0x0] =	vst.msk $0x1, v3  }
0xb2: {  	v3 =	vsel vm4, $0x1, v1;
	[tilespmem:$0x90] =	vst v6  }
0xb3: {  	s0 =	sadd.s32 @!p1 $0xD57F, s28;
	[tilespmem:$0xA0] =	vst v3  }
0xb4: {  	[spmem:s14] =	stream.linear.scatter @!p1 [tilespmem:s0], [sflag:$0x1], $0x1, $0x38;
	[tilespmem:$0xF030] =	vst v63  }
0xb5: {  	s0 =	simm.s32 @!p1 $0x1  }
0xb6: {  	v3 =	vmctz.xlane @!p1 vm4;
	_ =	swait.ge @!p1 [sflag:s0], $0x1  }
0xb7: {  	(v2sf) =	vpush @!p1 v4, $0x0  }
0xb8: {  	(v2sf) =	vpush @!p1 v3, $0x0;
	_ =	sdelay $0xd  }
0xb9: {  	s2 =	spop @!p1 (v2sf)  }
0xba: {  	s3 =	spop @!p1 (v2sf)  }
0xbb: {  	p2 =	sne.s32 @!p1 s26, s2;
	p3 =	slt.s32 @!p1 s3, $0xF  }
0xbc: {  	[sflag:s0] =	ssyncset.done @!p1 $0x0;
	p2 =	por p2, p1;
	p3 =	por !p3, p1  }
0xbd: {  	[sflag:s0] =	ssyncadd.s32 @!p1 $0xFFFFFFFF;
	v3 =	vimm.s32 @!p2 $0xFFFFFFFF;
	s3 =	simm.s32 @p3 $0xF  }
0xbe: {  	[tilespmem:$0x80] =	vst @!p2 v3;
	s2 =	sadd.s32 @!p1 $0x90, s3  }
0xbf: {  	[spmem:s10] =	stream.linear.scatter @!p1 [tilespmem:s2], [sflag:$0x1], $0x1, $0x38;
	[tilespmem:$0xF030] =	vst v63  }
0xc0: {  	_ =	swait.ge @!p1 [sflag:s0], $0x1  }
0xc1: {  	[sflag:s0] =	ssyncset.done @!p1 $0x0  }
0xc2: {  	s2 =	simm.s32 @!p1 $0x80;
	[sflag:s0] =	ssyncadd.s32 @!p1 $0xFFFFFFFF  }
0xc3: {  	[spmem:s15] =	stream.linear.scatter @!p1 [tilespmem:s2], [sflag:$0x1], $0x1, $0x38;
	[tilespmem:$0xF030] =	vst v63  }
0xc4: {  	_ =	swait.ge @!p1 [sflag:s0], $0x1  }
0xc5: {  	[sflag:s0] =	ssyncset.done @!p1 $0x0  }
0xc6: {  	[sflag:s0] =	ssyncadd.s32 @!p1 $0xFFFFFFFF;
	(ifvalue) =	ssetifvalue $0xFFFFFFFF;
	v3 =	vld [tilespmem:s25+$0x10];
	_ =	sdelay $0x3  }
.Ltmp6:
0xc7: {  	_ = 	snop;
	(pc) =	sbr.rel .LBB2_9-.Ltmp6, $3  }
0xc8: {  	_ =	sdelay $0x1  }
0xc9: {  	(ifvalue) =	ssetifvalue $0xFFFFFFFF  }
0xca: {  	[hbm4b:s1+s16] =	stream.indirect_vreg.scatter [tilespmem:s29], [sflag:$0x9], $0x1, v3, vm0, $0x4038;
	[tilespmem:$0xF030] =	vst v63  }
.LBB2_10:
0xcb: {  	_ =	sfence.sel $0x180000  }
0xcc: {  	s0 =	simm.s32 $0x7;
	[bflag:$0x0] =	sbarrier.arrive $0xFFFF  }
0xcd: {  	s26 =	simm.s32 $0x8;
	[sflag:s0] =	ssyncpa.u1 $0x1  }
0xce: {  	s28 =	simm.s32 $0x9;
	[sflag:s26] =	ssyncpa.u1 $0x1  }
0xcf: {  	[sflag:s28] =	ssyncpa.u1 $0x1  }
0xd0: {  	_ =	sfence.stream.spmem  }
0xd1: {  	s29 =	simm.s32 $0x3;
	[bflag:$0x0] =	sbarrier.arrive $0xFFFF  }
0xd2: {  	s30 =	simm.s32 $0x4;
	[sflag:s29] =	ssyncpa.u1 $0x1  }
0xd3: {  	s31 =	simm.s32 $0x3C;
	s2 =	stileid.u32;
	[sflag:s30] =	ssyncpa.u1 $0x1  }
0xd4: {  	p0 =	sne.s32 s2, $0x0;
	[sflag:s31] =	ssyncpa.u1 $0x1  }
0xd5: {  	s0 =	simm.s32 @p0 $0x1;
	_ =	sfence @p0  }
0xd6: {  	[sflag:s0] =	ssyncpa.u1 @p0 $0x1;
	s0 =	simm.s32 @p0 $0x2  }
0xd7: {  	[sflag:s0] =	ssyncpa.u1 @p0 $0x1  }
0xd8: {  	_ =	strace @p0 $0x9000004A  }
0xd9: {  	[bflag:$0x2] =	sbarrier.arrive @p0 $0xFFFF  }
0xda: {  	_ =	shalt @p0  }
.LBB2_11:
0xdb: {  	_ =	sfence.stream.spmem;
	s0 =	simm.s32 $0x5  }
0xdc: {  	s2 =	simm.s32 $0x80;
	s3 =	simm.s32 $0xC0;
	[sflag:s0] =	ssyncpa.u1 $0x0  }
0xdd: {  	[tilespmem:s3], [sflag:$0x5] =	stream.linear.gather [spmem:s2], $0x20, $0x38;
	[tilespmem:$0xF030] =	vst v63  }
0xde: {  	s2 =	simm.s32 $0x0;
	s3 =	simm.s32 $0xE0  }
0xdf: {  	[tilespmem:s3], [sflag:$0x5] =	stream.linear.gather [spmem:s2], $0x20, $0x38;
	[tilespmem:$0xF030] =	vst v63  }
.Ltmp7:
0xe0: {  	_ = 	snop;
	(pc) =	sbr.rel .LBB2_12-.Ltmp7, $4  }
0xe1: {  	_ =	swait.ge [sflag:s0], $0x40  }
0xe2: {  	[sflag:s0] =	ssyncset.done $0x0  }
0xe3: {  	s31 =	simm.s32 $0x6;
	[sflag:s0] =	ssyncadd.s32 $0xFFFFFFC0  }
0xe4: {  	s4 =	simm.s32 $0x0;
	[sflag:s31] =	ssyncpa.u1 $0x0  }
.LBB2_17:
0xe5: {  	p0 =	sgt.u32 s5, $0x27FF  }
0xe6: {  	s0 =	sshrl.u32 @!p0 s5, $0x3  }
0xe7: {  	s5 =	sand.u32 @!p0 $0x7, s5;
	s6 =	simm.s32 @!p0 $0xB0;
	s0 =	sadd.s32 @!p0 s1, s0  }
0xe8: {  	[tilespmem:s6], [sflag:$0x6] =	stream.linear.gather @!p0 [hbm4b:s0+s5], $0x1, $0x38;
	[tilespmem:$0xF030] =	vst v63  }
0xe9: {  	s0 =	simm.s32 @!p0 $0x6  }
0xea: {  	_ =	swait.ge @!p0 [sflag:s0], $0x1  }
0xeb: {  	[sflag:s0] =	ssyncset.done @!p0 $0x0  }
0xec: {  	[sflag:s0] =	ssyncadd.s32 @!p0 $0xFFFFFFFF  }
0xed: {  	v2 =	vmov @!p0 s4;
	v1 =	vld.msk @!p0 [tilespmem:$0xB0], $0x1;
	_ =	sdelay $0x3  }
0xee: {  	s0 =	simm.s32 @!p0 $0xE0  }
0xef: {  	[tilespmem:v2+s0+$0x0], v1 =	vst.idx.ret.add.f32.msk @!p0 $0x1, v1  }
0xf0: {  	[tilespmem:s2+$0xC0] =	vst.msk $0x1, v0  }
0xf1: {  	v0 =	vld.msk [tilespmem:s4+$0xE0], $0x1;
	_ =	sdelay $0x4  }
0xf2: {  	[tilespmem:s2+$0xE0] =	vst.msk $0x1, v0;
	s2 =	sadd.s32 $0x1, s2  }
.LBB2_19:
0xf3: {  	s4 =	sadd.s32 $0x1, s4  }
0xf4: {  	p0 =	sne.s32 s4, $0x20  }
.Ltmp8:
0xf5: {  	_ = 	snop;
	(pc) =	sbr.rel @!p0 .LBB2_20-.Ltmp8, $1  }
0xf6: {  	_ =	sdelay $0x3  }
.LBB2_12:
0xf7: {  	v0 =	vld.msk [tilespmem:s4+$0xC0], $0x1;
	_ =	sdelay $0x4  }
0xf8: {  	(v2sf) =	vpush v0, $0x0;
	_ =	sdelay $0xe  }
0xf9: {  	s5 =	spop (v2sf)  }
0xfa: {  	p0 =	seq.s32 s5, $0xFFFFFFFF  }
.Ltmp9:
0xfb: {  	_ = 	snop;
	(pc) =	sbr.rel @p0 .LBB2_19-.Ltmp9, $1  }
0xfc: {  	_ =	sdelay $0x3  }
0xfd: {  	p0 =	slt.s32 s2, $0x1  }
.Ltmp10:
0xfe: {  	_ = 	snop;
	(pc) =	sbr.rel @p0 .LBB2_17-.Ltmp10, $1  }
0xff: {  	_ =	sdelay $0x3  }
0x100: {  	s0 =	simm.s32 $0xC0;
	p0 =	por $0x0, $0x0  }
0x101: {  	v1 =	vld.msk @!p0 [tilespmem:s0+$0x0], $0x1;
	_ =	sdelay $0x4  }
0x102: {  	(v2sf) =	vpush @!p0 v1, $0x0;
	_ =	sdelay $0xd  }
0x103: {  	p2 =	sne.s32 s2, $0x1  }
.Ltmp11:
0x104: {  	s6 =	spop @!p0 (v2sf);
	(pc) =	sbr.rel @!p2 .LBB2_16-.Ltmp11, $4  }
0x105: {  	p1 =	seq.s32 @!p0 s5, s6  }
0x106: {  	s6 =	simm.s32 $0x0;
	p1 =	por !p1, p0  }
0x107: {  	s8 =	simm.s32 $0xFFFFFFFF;
	s6 =	simm.s32 @p1 $0xFFFFFFFF  }
0x108: {  	s7 =	simm.s32 $0x1;
	s6 =	smov.u32 @p0 s8  }
.LBB2_15:
0x109: {  	s8 =	smov.u32 s6;
	p0 =	sne.s32 s6, $0xFFFFFFFF  }
0x10a: {  	s0 =	sadd.s32 $0x1, s0;
	s6 =	smov.u32 s7;
	s7 =	sadd.s32 $0x1, s7  }
0x10b: {  	p1 =	sne.s32 s2, s7;
	v1 =	vld.msk @!p0 [tilespmem:s0+$0x0], $0x1;
	_ =	sdelay $0x4  }
0x10c: {  	(v2sf) =	vpush @!p0 v1, $0x0;
	_ =	sdelay $0xe  }
.Ltmp12:
0x10d: {  	s9 =	spop @!p0 (v2sf);
	(pc) =	sbr.rel @p1 .LBB2_15-.Ltmp12, $4  }
0x10e: {  	p2 =	seq.s32 @!p0 s5, s9  }
0x10f: {  	p2 =	por !p2, p0  }
0x110: {  	s6 =	simm.s32 @p2 $0xFFFFFFFF  }
0x111: {  	s6 =	smov.u32 @p0 s8  }
.LBB2_16:
0x112: {  	p0 =	sne.s32 s6, $0xFFFFFFFF  }
.Ltmp13:
0x113: {  	_ = 	snop;
	(pc) =	sbr.rel @!p0 .LBB2_17-.Ltmp13, $1  }
0x114: {  	_ =	sdelay $0x3  }
0x115: {  	v0 =	vld.msk [tilespmem:s4+$0xE0], $0x1;
	v1 =	vmov s6  }
.Ltmp14:
0x116: {  	_ = 	snop;
	(pc) =	sbr.rel .LBB2_19-.Ltmp14, $2  }
0x117: {  	_ =	sdelay $0x2  }
0x118: {  	[tilespmem:v1+s3+$0x0], v0 =	vst.idx.ret.add.f32.msk $0x1, v0  }
.LBB2_20:
0x119: {  	p0 =	slt.s32 s2, $0x1  }
.Ltmp15:
0x11a: {  	_ = 	snop;
	(pc) =	sbr.rel @p0 .LBB2_24-.Ltmp15, $3  }
0x11b: {  	_ =	sdelay $0x1  }
0x11c: {  	s0 =	simm.s32 $0x6  }
0x11d: {  	s3 =	simm.s32 $0x0;
	[sflag:s0] =	ssyncpa.u1 $0x1  }
0x11e: {  	s0 =	simm.s32 $0xC0  }
0x11f: {  	v0 =	vld.msk [tilespmem:s0+$0x0], $0x1;
	_ =	sdelay $0x4  }
0x120: {  	(v2sf) =	vpush v0, $0x0;
	_ =	sdelay $0xe  }
0x121: {  	s2 =	sadd.s32 $0xFFFFFFFF, s2;
	s4 =	spop (v2sf)  }
0x122: {  	p1 =	sne.s32 s2, $0x0;
	p0 =	sgt.u32 s4, $0x27FF  }
.Ltmp16:
0x123: {  	s5 =	sshrl.u32 @!p0 s4, $0x3;
	(pc) =	sbr.rel @!p1 .LBB2_23-.Ltmp16, $4  }
0x124: {  	s0 =	simm.s32 $0xE0;
	s4 =	sand.u32 @!p0 $0x7, s4;
	s5 =	sadd.s32 @!p0 s1, s5  }
0x125: {  	[hbm4b:s5+s4] =	stream.linear.scatter @!p0 [tilespmem:s0], [sflag:$0x5], $0x1, $0x38;
	[tilespmem:$0xF030] =	vst v63  }
0x126: {  	s5 =	simm.s32 $0x0  }
0x127: {  	s4 =	simm.s32 $0xC1;
	s5 =	simm.s32 @!p0 $0x4  }
.LBB2_22:
0x128: {  	v0 =	vld.msk [tilespmem:s4+$0x0], $0x1;
	s2 =	sadd.s32 $0xFFFFFFFF, s2;
	s3 =	sadd.s32 s3, s5  }
0x129: {  	p0 =	sne.s32 s2, $0x0;
	_ =	sdelay $0x3  }
0x12a: {  	(v2sf) =	vpush v0, $0x0;
	_ =	sdelay $0xe  }
.Ltmp17:
0x12b: {  	s6 =	spop (v2sf);
	(pc) =	sbr.rel @p0 .LBB2_22-.Ltmp17, $4  }
0x12c: {  	s5 =	simm.s32 $0x0;
	p1 =	sgt.u32 s6, $0x27FF  }
0x12d: {  	s0 =	sadd.s32 $0x1, s0;
	s5 =	simm.s32 @!p1 $0x4;
	s7 =	sshrl.u32 @!p1 s6, $0x3  }
0x12e: {  	s4 =	sadd.s32 $0x1, s4;
	s6 =	sand.u32 @!p1 $0x7, s6;
	s7 =	sadd.s32 @!p1 s1, s7  }
0x12f: {  	[hbm4b:s7+s6] =	stream.linear.scatter @!p1 [tilespmem:s0], [sflag:$0x5], $0x1, $0x38;
	[tilespmem:$0xF030] =	vst v63  }
.LBB2_23:
0x130: {  	s0 =	sadd.s32 s3, s5  }
0x131: {  	s3 =	sshrl.u32 s0, $0x2  }
.LBB2_24:
0x132: {  	s0 =	simm.s32 $0x5  }
0x133: {  	_ =	swait.ge [sflag:s0], s3  }
0x134: {  	s1 =	ssub.s32 $0x0, s3;
	[sflag:s0] =	ssyncset.done $0x0  }
0x135: {  	[sflag:s0] =	ssyncadd.s32 s1  }
0x136: {  	[sflag:s0] =	ssyncpa.u1 $0x1  }
0x137: {  	s29 =	simm.s32 $0x1;
	_ =	sfence  }
0x138: {  	s30 =	simm.s32 $0x2;
	[sflag:s29] =	ssyncpa.u1 $0x1  }
0x139: {  	[sflag:s30] =	ssyncpa.u1 $0x1  }
0x13a: {  	_ =	strace $0x9000004A  }
0x13b: {  	[bflag:$0x2] =	sbarrier.arrive $0xFFFF  }
0x13c: {  	s31 =	rddreg [dreg:$0x2]  }
0x13d: {  	s0 =	sadd.s32 $0x100000, s31  }
0x13e: {  	[sflag:s0] =	ssyncadd.tile.s32 $0x1;
	_ =	shalt  }
.Lfunc_end2:
_tile_overlayer_lowered:
.L_overlay_start_2:
0x13f: {  	(tag) =	ssettag $0x2  }
0x140: {  	s0 =	rddreg [dreg:$0x0];
	s2 =	stileid.u32  }
0x141: {  	s1 =	rddreg [dreg:$0x1];
	p0 =	sne.s32 s2, $0x0  }
0x142: {  	s3 =	rddreg [dreg:$0x2];
	[bflag:$0x3] =	sbarrier.arrive $0xFFFF;
	s2 =	simm.s32 @!p0 $0x1C01  }
0x143: {  	[timem:s3], [sflag:s2] =	dma.local @!p0 [hbm:s0], s1  }
0x144: {  	s0 =	simm.s32 @!p0 $0x1  }
0x145: {  	_ =	swait.ge @!p0 [sflag:s0], s1  }
0x146: {  	s1 =	ssub.s32 @!p0 $0x0, s1;
	[sflag:s0] =	ssyncset.done @!p0 $0x0  }
0x147: {  	[sflag:s0] =	ssyncadd.s32 @!p0 s1  }
0x148: {  	[bflag:$0x3] =	sbarrier.arrive $0xFFFF  }
0x149: {  	_ =	shalt  }

// kernel: scatter_offload_async_start.2
scs
__scs_entry_jumppad:
0x0: {  	(pc) =	sbr.rel $0x88, $3  }
0x1: {  	(tag) =	ssettag $0x0;
	lr =	simm.s32 $0x1  }
0x2: {  	[smem:$0x3F97] =	sst lr;
	_ =	strace $0xD0000000  }
0x3: {  	_ = 	snop  }
0x4: {  	_ = 	snop  }
0x5: {  	_ = 	snop  }
0x6: {  	_ = 	snop  }
0x7: {  	_ = 	snop  }
__scs_overlays_trampoline_lowered:
0x8: {  	[smem:$0x3FA6] =	sst s0  }
0x9: {  	[smem:$0x3FA7] =	sst s1  }
0xa: {  	[smem:$0x3FA8] =	sst s2  }
0xb: {  	[smem:$0x3FA9] =	sst s3  }
0xc: {  	[smem:$0x3FAA] =	sst s4  }
0xd: {  	[smem:$0x3FAB] =	sst s5  }
0xe: {  	[smem:$0x3FAC] =	sst s6  }
0xf: {  	[smem:$0x3FAD] =	sst s7  }
0x10: {  	[smem:$0x3FAE] =	sst s8  }
0x11: {  	[smem:$0x3FAF] =	sst s9;
	s0 =	simm.s32 @!p0 $0x0  }
0x12: {  	s1 =	sld [smem:$0x3F95];
	s0 =	simm.s32 @p0 $0x1  }
0x13: {  	[smem:$0x3FB0] =	sst s0;
	s0 =	simm.s32 @!p1 $0x0  }
0x14: {  	s2 =	sld [smem:$0x3F94];
	s0 =	simm.s32 @p1 $0x1  }
0x15: {  	[smem:$0x3FB1] =	sst s0;
	s0 =	simm.s32 @!p2 $0x0  }
0x16: {  	s3 =	sld [smem:$0x3FDB];
	s0 =	simm.s32 @p2 $0x1  }
0x17: {  	s4 =	simm.s32 $0x1BF5;
	[smem:$0x3FB3] =	sst s0  }
0x18: {  	s0 =	sld [smem:$0x3F96];
	_ =	swait.ge [sflag:s4], $0x0  }
0x19: {  	s7 =	sld [smem:$0x3F97]  }
0x1a: {  	s8 =	sadd.s32 $0xFFFFE003, lr  }
0x1b: {  	s9 =	sadd.s32 $0xFFFFFEF7, lr;
	s5 =	simm.s32 $0xFFFFFFFF;
	p2 =	slt.u32 s8, $0xFFFFF086  }
0x1c: {  	p1 =	slt.u32 s9, $0xF7A;
	s5 =	simm.s32 @!p2 $0x0  }
0x1d: {  	s5 =	simm.s32 @p1 $0x1;
	p0 =	seq.s32 s7, s2  }
0x1e: {  	s7 =	smul.u32 @!p0 $0xF7A, s2;
	p2 =	seq.s32 @!p0 s5, $0x0  }
0x1f: {  	s9 =	smul.u32 $0xF7A, s1;
	s8 =	simm.s32 @!p0 $0x1BF5;
	p2 =	por !p2, p0  }
0x20: {  	[sflag:s8] =	ssyncset.s32 @!p0 $0xFFFFF086;
	s6 =	sadd.s32 @!p0 s3, s7;
	s7 =	simm.s32 @!p0 $0x108  }
0x21: {  	s3 =	sadd.s32 s3, s9;
	s6 =	sadd.s32 @!p0 $0x88, s6;
	s7 =	simm.s32 @p2 $0x1082  }
0x22: {  	[simem:s7], [sflag:s8] =	dma.local @!p0 [hbm:s6], $0xF7A  }
0x23: {  	s9 =	sor.u32 $0xD0000000, s2;
	s6 =	simm.s32 $0x108;
	_ =	swait.ge @!p0 [sflag:s8], $0x0  }
0x24: {  	s3 =	sadd.s32 $0x88, s3;
	s6 =	simm.s32 @!p1 $0x1082;
	[sflag:s4] =	ssyncset.s32 $0xFFFFF086  }
0x25: {  	[simem:s6], [sflag:s4] =	dma.local [hbm:s3], $0xF7A  }
0x26: {  	[smem:$0x3F97] =	sst s1;
	(tag) =	ssettag s2;
	_ =	strace s9  }
0x27: {  	s1 =	sld [smem:$0x3FA7]  }
0x28: {  	s2 =	sld [smem:$0x3FA8]  }
0x29: {  	s4 =	sld [smem:$0x3FAA]  }
0x2a: {  	p0 =	seq.s32 s5, $0x0;
	s5 =	sld [smem:$0x3FAB]  }
0x2b: {  	s6 =	sld [smem:$0x3FAC]  }
0x2c: {  	s7 =	sld [smem:$0x3FAD]  }
0x2d: {  	s3 =	simm.s32 $0x108;
	s8 =	sld [smem:$0x3FAE]  }
0x2e: {  	s3 =	simm.s32 @!p0 $0x1082;
	s9 =	sld [smem:$0x3FAF]  }
0x2f: {  	lr =	sadd.s32 s0, s3;
	s0 =	sld [smem:$0x3FA6]  }
0x30: {  	s3 =	sld [smem:$0x3FA9]  }
0x31: {  	[smem:$0x3FB2] =	sst s10  }
0x32: {  	s10 =	sld [smem:$0x3FB0];
	_ =	sdelay $0x3  }
0x33: {  	p0 =	seq.s32 s10, $0x1;
	s10 =	sld [smem:$0x3FB2];
	_ =	sdelay $0x3  }
0x34: {  	[smem:$0x3FB2] =	sst s10  }
0x35: {  	s10 =	sld [smem:$0x3FB1];
	_ =	sdelay $0x3  }
0x36: {  	p1 =	seq.s32 s10, $0x1;
	s10 =	sld [smem:$0x3FB2];
	_ =	sdelay $0x3  }
0x37: {  	[smem:$0x3FB2] =	sst s10  }
0x38: {  	s10 =	sld [smem:$0x3FB3]  }
0x39: {  	_ = 	snop;
	(pc) =	sbr.ind lr, $3  }
0x3a: {  	_ = 	snop  }
0x3b: {  	_ = 	snop  }
0x3c: {  	p2 =	seq.s32 s10, $0x1;
	s10 =	sld [smem:$0x3FB2]  }
0x3d: {  	_ =	shalt  }
0x3e: {  	_ =	shalt  }
0x3f: {  	_ =	shalt  }
0x40: {  	_ =	shalt  }
0x41: {  	_ =	shalt  }
0x42: {  	_ =	shalt  }
0x43: {  	_ =	shalt  }
0x44: {  	_ =	shalt  }
0x45: {  	_ =	shalt  }
0x46: {  	_ =	shalt  }
0x47: {  	_ =	shalt  }
0x48: {  	_ =	shalt  }
0x49: {  	_ =	shalt  }
0x4a: {  	_ =	shalt  }
0x4b: {  	_ =	shalt  }
0x4c: {  	_ =	shalt  }
0x4d: {  	_ =	shalt  }
0x4e: {  	_ =	shalt  }
0x4f: {  	_ =	shalt  }
0x50: {  	_ =	shalt  }
0x51: {  	_ =	shalt  }
0x52: {  	_ =	shalt  }
0x53: {  	_ =	shalt  }
0x54: {  	_ =	shalt  }
0x55: {  	_ =	shalt  }
0x56: {  	_ =	shalt  }
0x57: {  	_ =	shalt  }
0x58: {  	_ =	shalt  }
0x59: {  	_ =	shalt  }
0x5a: {  	_ =	shalt  }
0x5b: {  	_ =	shalt  }
0x5c: {  	_ =	shalt  }
0x5d: {  	_ =	shalt  }
0x5e: {  	_ =	shalt  }
0x5f: {  	_ =	shalt  }
0x60: {  	_ =	shalt  }
0x61: {  	_ =	shalt  }
0x62: {  	_ =	shalt  }
0x63: {  	_ =	shalt  }
0x64: {  	_ =	shalt  }
0x65: {  	_ =	shalt  }
0x66: {  	_ =	shalt  }
0x67: {  	_ =	shalt  }
0x68: {  	_ =	shalt  }
0x69: {  	_ =	shalt  }
0x6a: {  	_ =	shalt  }
0x6b: {  	_ =	shalt  }
0x6c: {  	_ =	shalt  }
0x6d: {  	_ =	shalt  }
0x6e: {  	_ =	shalt  }
0x6f: {  	_ =	shalt  }
0x70: {  	_ =	shalt  }
0x71: {  	_ =	shalt  }
0x72: {  	_ =	shalt  }
0x73: {  	_ =	shalt  }
0x74: {  	_ =	shalt  }
0x75: {  	_ =	shalt  }
0x76: {  	_ =	shalt  }
0x77: {  	_ =	shalt  }
0x78: {  	_ =	shalt  }
0x79: {  	_ =	shalt  }
0x7a: {  	_ =	shalt  }
0x7b: {  	_ =	shalt  }
0x7c: {  	_ =	shalt  }
0x7d: {  	_ =	shalt  }
0x7e: {  	_ =	shalt  }
0x7f: {  	_ =	shalt  }
0x80: {  	_ =	shalt  }
0x81: {  	_ =	shalt  }
0x82: {  	_ =	shalt  }
0x83: {  	_ =	shalt  }
0x84: {  	_ =	shalt  }
0x85: {  	_ =	shalt  }
0x86: {  	_ =	shalt  }
0x87: {  	_ =	shalt  }
.Lfunc_end0:
.L_simem_size_0:
called_computation.2_lowered:
.L_overlay_start_0:
0x88: {  	s0 =	sld [smem:$0x3FD9]  }
0x89: {  	s1 =	sld [smem:$0x3FFE];
	_ =	sdelay $0x3  }
0x8a: {  	s0 =	sadd.s32 s1, s0  }
0x8b: {  	[smem:$0x3FBE] =	sst s0  }
0x8c: {  	_ = 	snop  }
0x8d: {  	(tm) =	ssettm $0x1  }
0x8e: {  	s15 =	sld [smem:$0x3FFB];
	_ =	sdelay $0x3  }
0x8f: {  	_ =	strace s15  }
0x90: {  	s0 =	sld [smem:$0x3FFC];
	_ =	sdelay $0x3  }
0x91: {  	_ =	strace s0  }
0x92: {  	s0 =	sld [smem:$0x3FFD];
	_ =	sdelay $0x3  }
0x93: {  	_ =	strace s0  }
0x94: {  	_ =	strace $0x8FFFFFFF  }
0x95: {  	s16 =	sld [smem:$0x3FDB];
	_ =	sdelay $0x1  }
0x96: {  	s17 =	simm.s32 $_scs_section_size  }
0x97: {  	s2 =	simm.s32 $_size__tile_overlayer_lowered;
	s3 =	simm.s32 $_tile_overlayer_lowered  }
0x98: {  	s20 =	simm.s32 $0x1BFF;
	s19 =	sshll.u32 s3, $0x1;
	s0 =	sadd.s32 s17, s16  }
0x99: {  	s4 =	simm.s32 $0x0;
	s18 =	sshll.u32 s2, $0x1;
	s2 =	sadd.s32 s19, s0  }
0x9a: {  	[timem:s4], [sflag:s20] =	dma.local [hbm:s2], s18  }
0x9b: {  	_ =	swait.ge [sflag:s20], s18  }
0x9c: {  	s1 =	ssub.s32 $0x0, s18;
	[sflag:s20] =	ssyncset.done $0x0  }
0x9d: {  	[sflag:s20] =	ssyncadd.s32 s1;
	_ =	sdelay $0x1  }
0x9e: {  	s21 =	simm.s32 $0x1B8B  }
0x9f: {  	_ =	swait.ge [sflag:s21], $0x1  }
0xa0: {  	[sflag:s21] =	ssyncset.done $0x0  }
0xa1: {  	s23 =	simm.s32 $0x1B8E;
	s22 =	sld [smem:$0x3FFE];
	[sflag:s21] =	ssyncadd.s32 $0xFFFFFFFF  }
0xa2: {  	s24 =	simm.s32 $execute0_lowered;
	[smem:$0x3FD2] =	sst s23  }
0xa3: {  	s2 =	sshll.u32 s24, $0x1;
	_ =	strace $0x8000004C;
	[dreg:$0x1] =	wrdreg $0xFFFFFFFF  }
0xa4: {  	s25 =	simm.s32 $_size_execute0_lowered;
	s0 =	sadd.s32 s0, s2;
	[dreg:$0x0] =	wrdreg $0x0  }
0xa5: {  	s2 =	sshll.u32 s25, $0x1;
	[dreg:$0x2] =	wrdreg s0  }
0xa6: {  	[dreg:$0x3] =	wrdreg s2  }
0xa7: {  	[dreg:$0x4] =	wrdreg $0xC0  }
0xa8: {  	_ =	task [dreg:s4], $0x5FFFF  }
0xa9: {  	[dreg:$0x1] =	wrdreg $0xFFFFFFFF  }
0xaa: {  	[dreg:$0x0] =	wrdreg $0x60  }
0xab: {  	[dreg:$0x2] =	wrdreg s22  }
0xac: {  	[dreg:$0x3] =	wrdreg $0xA  }
0xad: {  	_ =	task.clear_ibuf [dreg:s4], $0x4FFFF;
	_ =	strace $0x9000004C  }
0xae: {  	s26 =	simm.s32 $0xA;
	_ =	strace $0x8000004E  }
0xaf: {  	_ =	swait.ge [sflag:s26], $0x1  }
0xb0: {  	[sflag:s26] =	ssyncadd.s32 $0xFFFFFFFF  }
0xb1: {  	_ =	strace $0x9000004E  }
0xb2: {  	_ =	sfence  }
0xb3: {  	s28 =	sld [smem:$0x0];
	_ =	sdelay $0x1  }
0xb4: {  	s29 =	srdreg.scid  }
0xb5: {  	s30 =	sshll.u32 s29, $0xD;
	s31 =	sshrl.u32 s29, $0x2  }
0xb6: {  	s1 =	sand.u32 $0x1, s29;
	s2 =	sand.u32 $0x4000, s30;
	s0 =	sadd.s32 s31, s28  }
0xb7: {  	s1 =	sor.u32 s2, s1;
	s0 =	sshll.u32 s0, $0x11  }
0xb8: {  	s0 =	sor.u32 s0, s1  }
0xb9: {  	s0 =	sadd.s32 $0x8F2B, s0  }
0xba: {  	[sflag:s0] =	ssyncadd.remote.s32 $0x1  }
0xbb: {  	_ =	sfence.sel $0xFFFF  }
0xbc: {  	[dreg:$0x0] =	wrdreg $0xFFFFFFFF;
	(pc) =	sbr.abs _section_cstart, $3  }
0xbd: {  	[dreg:$0x1] =	wrdreg $0xFFFFFFFF  }
0xbe: {  	_ =	task.clear_ibuf [dreg:s4], $0x2FFFF;
	_ =	strace $0x9FFFFFFF  }
0xbf: {  	(tm) =	ssettm $0x7FFFFFFF  }
tec
execute0_lowered:
.L_overlay_start_1:
0x0: {  	(tag) =	ssettag $0x1  }
0x1: {  	s0 =	rddreg [dreg:$0x0];
	_ =	strace $0x8000004D;
	s1 =	simm.s32 $0x1  }
0x2: {  	s8 =	simm.s32 $0x88;
	v0 =	vimm.s32 $0x0;
	[sflag:s1] =	ssyncpa.u1 $0x0  }
0x3: {  	[tilespmem:s8+$0x30] =	vst v0  }
0x4: {  	s1 =	sadd.s32 $0x12800, s0;
	s3 =	sadd.s32 $0x2C00, s0;
	[tilespmem:s8+$0x20] =	vst v0  }
0x5: {  	s4 =	sadd.s32 $0x341A00, s0;
	s5 =	sadd.s32 $0x8000, s0;
	s0 =	simm.s32 $0x40;
	[tilespmem:s8+$0x10] =	vst v0  }
.LBB2_1:
0x6: {  	s0 =	sadd.s32 $0x40, s0  }
0x7: {  	[tilespmem:s8+$0x0] =	vst v0;
	s8 =	sadd.s32 $0x40, s8;
	p0 =	slt.u32 s0, $0x5040  }
.Ltmp0:
0x8: {  	(pc) =	sbr.rel @p0 .LBB2_1-.Ltmp0, $4  }
0x9: {  	_ = 	snop  }
0xa: {  	[tilespmem:s8+$0x30] =	vst v0  }
0xb: {  	[tilespmem:s8+$0x20] =	vst v0  }
0xc: {  	[tilespmem:s8+$0x10] =	vst v0  }
0xd: {  	s9 =	stileid.u32  }
0xe: {  	s0 =	smul.u32 $0x21, s9  }
0xf: {  	s2 =	smin.u32 s9, $0x4  }
0x10: {  	s0 =	sadd.s32 s2, s0  }
0x11: {  	p0 =	slt.u32 s9, $0x4;
	s6 =	smul.u32 $0x140, s0;
	s0 =	simm.s32 $0x2A80  }
0x12: {  	s0 =	simm.s32 @!p0 $0x2940  }
0x13: {  	s0 =	sadd.s32 s0, s6  }
0x14: {  	s7 =	smin.u32 s0, $0x29810  }
0x15: {  	s0 =	ssub.s32 s7, s6  }
0x16: {  	p0 =	sgt.s32 s0, $0x0  }
0x17: {  	s0 =	simm.s32 @!p0 $0x0  }
0x18: {  	s29 =	simm.s32 $0x2;
	s10 =	simm.s32 $0x7;
	s28 =	smulhi.u32 $0x66666667, s0  }
0x19: {  	s31 =	simm.s32 $0x8;
	s11 =	simm.s32 $0x1;
	s15 =	simm.s32 $0x0  }
0x1a: {  	p1 =	por $0x0, $0x0;
	s16 =	simm.s32 $0xA;
	s2 =	sshrl.u32 s28, $0x7  }
0x1b: {  	s20 =	simm.s32 $0x0;
	s17 =	simm.s32 $0x0;
	s30 =	smul.u32 $0x140, s2  }
.Ltmp1:
0x1c: {  	[tilespmem:s8+$0x0] =	vst v0;
	v0 =	vimm.s32 $0xFFFFFFFF;
	s19 =	simm.s32 $0x0;
	[sflag:s29] =	ssyncpa.u1 $0x0;
	(pc) =	sbr.rel .LBB2_3-.Ltmp1, $4  }
0x1d: {  	[tilespmem:$0xA108] =	vst v0;
	[sflag:s10] =	ssyncpa.u1 $0x0;
	p0 =	sne.s32 s0, s30;
	s0 =	simm.s32 $0x1  }
0x1e: {  	s10 =	simm.s32 $0x9;
	[sflag:s31] =	ssyncpa.u1 $0x0;
	s0 =	simm.s32 @!p0 $0x0  }
0x1f: {  	s13 =	sshll.u32 s9, $0x7;
	[sflag:s10] =	ssyncpa.u1 $0x0;
	s12 =	sadd.s32 s0, s2  }
0x20: {  	v0 =	vlaneseq.u32;
	s18 =	smov.u32 s6;
	p0 =	por $0x1, $0x1;
	s14 =	sadd.s32 $0x1, s12  }
.LBB2_24:
0x21: {  	s0 =	sshrl.u32 s29, $0x2  }
.LBB2_26:
0x22: {  	_ =	swait.ge [sflag:s16], s0  }
0x23: {  	s31 =	ssub.s32 $0x0, s0;
	v1 =	vmov s22;
	vm0 =	veq.s32 v0, $0x0;
	[sflag:s16] =	ssyncset.done $0x0  }
0x24: {  	vm15 =	veq.s32 v0, $0x2;
	v1 =	vsel vm0, s28, v1;
	[sflag:s16] =	ssyncadd.s32 s31  }
0x25: {  	v1 =	vsel vm15, s20, v1;
	[sflag:s16] =	ssyncpa.u1 $0x1  }
0x26: {  	[tilespmem:$0xA108] =	vst v1  }
.LBB2_27:
0x27: {  	s0 =	sadd.s32 $0x140, s18  }
0x28: {  	s2 =	smov.u32 s6;
	p2 =	slt.s32 s0, s7  }
0x29: {  	s2 =	smov.u32 @p2 s0;
	p2 =	sne.s32 s19, s14  }
.Ltmp2:
0x2a: {  	_ = 	snop;
	(pc) =	sbr.rel @!p2 .LBB2_28-.Ltmp2, $4  }
0x2b: {  	_ = 	snop  }
0x2c: {  	s20 =	smov.u32 s17  }
0x2d: {  	s31 =	sadd.s32 $0x1, s19;
	s17 =	smov.u32 s18;
	p0 =	por !p0, !p0  }
0x2e: {  	p1 =	por !p1, !p1;
	s19 =	smov.u32 s31;
	s18 =	smov.u32 s2  }
.LBB2_3:
0x2f: {  	p2 =	sge.u32 s19, s12  }
0x30: {  	s0 =	smulhi.u32 @!p2 $0xAAAAAAAB, s19  }
0x31: {  	s2 =	smov.u32 s18;
	p3 =	sgt.s32 @!p2 s18, $0x296D0  }
0x32: {  	s8 =	sshra.s32 @!p2 s18, $0x1F;
	p3 =	por !p3, p2;
	s0 =	sshrl.u32 @!p2 s0, $0x1  }
0x33: {  	s8 =	sand.u32 @!p2 s8, s18;
	s2 =	simm.s32 @p3 $0x296D0;
	s0 =	smul.u32 @!p2 $0x3, s0  }
0x34: {  	s2 =	ssub.s32 @!p2 s2, s8  }
0x35: {  	s22 =	sadd.s32 $0xFFFFFFFF, s19;
	s2 =	sadd.s32 @!p2 $0xFFFD6930, s2;
	s0 =	ssub.s32 @!p2 s19, s0  }
0x36: {  	s8 =	sshll.u32 @!p2 s2, $0x2;
	p3 =	sgt.s32 @!p2 s2, $0x13F;
	s0 =	smul.u32 @!p2 $0x500, s0  }
0x37: {  	s21 =	sand.u32 @!p2 $0x7, s18;
	s2 =	ssub.s32 @!p2 $0x500, s8;
	p3 =	por !p3, p2  }
0x38: {  	s8 =	sshrl.u32 @!p2 s18, $0x3;
	s2 =	sshrl.u32 @!p2 s2, $0x2;
	s0 =	sshrl.u32 @!p2 s0, $0x2  }
0x39: {  	s8 =	sadd.s32 @!p2 s5, s8;
	s2 =	simm.s32 @!p3 $0x0;
	s0 =	sadd.s32 @!p2 $0xA938, s0  }
0x3a: {  	[tilespmem:s0], [sflag:$0x8] =	stream.linear.gather @!p2 [hbm4b:s8+s21], s2, $0x38;
	[tilespmem:$0x1EF78] =	vst v63  }
0x3b: {  	p2 =	sge.u32 s22, s12  }
0x3c: {  	p3 =	sgt.s32 @!p2 s17, $0x296D0  }
0x3d: {  	s0 =	smov.u32 s17;
	s2 =	sshra.s32 @!p2 s17, $0x1F;
	p3 =	por !p3, p2  }
0x3e: {  	s2 =	sand.u32 @!p2 s2, s17;
	s0 =	simm.s32 @p3 $0x296D0  }
0x3f: {  	s0 =	ssub.s32 @!p2 s0, s2  }
0x40: {  	s0 =	sadd.s32 @!p2 $0xFFFD6930, s0  }
0x41: {  	s2 =	sshll.u32 @!p2 s0, $0x2  }
0x42: {  	p3 =	sgt.s32 @!p2 s0, $0x13F;
	s0 =	ssub.s32 @!p2 $0x500, s2  }
0x43: {  	p3 =	por !p3, p2;
	s0 =	sshrl.u32 @!p2 s0, $0x2  }
0x44: {  	s8 =	simm.s32 @!p2 $0x8;
	s2 =	sand.u32 @!p2 $0x1, s22;
	s0 =	simm.s32 @!p3 $0x0  }
0x45: {  	s2 =	smul.u32 @!p2 $0x500, s2;
	_ =	swait.ge @!p2 [sflag:s8], s0  }
0x46: {  	s21 =	ssub.s32 @!p2 $0x0, s0;
	[sflag:s8] =	ssyncset.done @!p2 $0x0  }
0x47: {  	s2 =	sshrl.u32 @!p2 s2, $0x2;
	[sflag:s8] =	ssyncadd.s32 @!p2 s21;
	s8 =	sshrl.u32 @!p2 s17, $0x3  }
0x48: {  	s2 =	sadd.s32 @!p2 $0xACF8, s2;
	s21 =	sand.u32 @!p2 $0x7, s17;
	s8 =	sadd.s32 @!p2 s3, s8  }
0x49: {  	[tilespmem:s2], [sflag:$0x9] =	stream.linear.gather @!p2 [hbm4b:s8+s21], s0, $0x38;
	[tilespmem:$0x1EF78] =	vst v63  }
0x4a: {  	s21 =	ssub.s32 @!p2 $0x29810, s17  }
0x4b: {  	p3 =	slt.s32 @!p2 s21, $0x1  }
0x4c: {  	p3 =	por p2, p3  }
.Ltmp3:
0x4d: {  	_ = 	snop;
	(pc) =	sbr.rel @p3 .LBB2_9-.Ltmp3, $1  }
0x4e: {  	_ =	sdelay $0x3  }
0x4f: {  	s0 =	smulhi.u32 $0xAAAAAAAB, s22;
	_ =	sdelay $0x1  }
0x50: {  	s0 =	sshrl.u32 s0, $0x1  }
0x51: {  	s0 =	smul.u32 $0x3, s0;
	_ =	sdelay $0x1  }
0x52: {  	s0 =	ssub.s32 s22, s0  }
0x53: {  	s2 =	simm.s32 $0x1;
	s0 =	smul.u32 $0x500, s0  }
.Ltmp4:
0x54: {  	s2 =	simm.s32 @!p0 $0x0;
	(pc) =	sbr.rel .LBB2_6-.Ltmp4, $4  }
0x55: {  	s2 =	smul.u32 $0x28000, s2  }
0x56: {  	p3 =	slt.s32 @!p2 s21, $0x140;
	s0 =	sshrl.u32 s0, $0x2  }
0x57: {  	p2 =	por !p3, p2;
	s2 =	sshrl.u32 s2, $0x2;
	s0 =	sadd.s32 $0xA938, s0  }
0x58: {  	s23 =	simm.s32 $0x0;
	s21 =	simm.s32 @p2 $0x140;
	s22 =	sadd.s32 $0xAF78, s2;
	v1 =	vmov s0  }
.LBB2_5:
0x59: {  	p2 =	sge.s32 s23, s21  }
.Ltmp5:
0x5a: {  	_ = 	snop;
	(pc) =	sbr.rel @p2 .LBB2_9-.Ltmp5, $2  }
0x5b: {  	_ =	sdelay $0x2  }
0x5c: {  	s22 =	sadd.s32 $0x800, s22  }
.LBB2_6:
0x5d: {  	p2 =	sle.s32 s21, s23  }
.Ltmp6:
0x5e: {  	_ = 	snop;
	(pc) =	sbr.rel @p2 .LBB2_5-.Ltmp6, $2  }
0x5f: {  	_ =	sdelay $0x2  }
0x60: {  	s24 =	smov.u32 s23;
	s23 =	sadd.s32 $0x10, s23  }
0x61: {  	s0 =	ssub.s32 s21, s24  }
0x62: {  	p2 =	slt.s32 s0, $0x10  }
0x63: {  	s0 =	simm.s32 @!p2 $0x10  }
0x64: {  	v2 =	vmov s0  }
0x65: {  	vm0 =	vgt.s32 v2, v0;
	_ =	sdelay $0x5  }
0x66: {  	v2 =	vld.idx.msk [tilespmem:v1+s24+$0x0 ss:$0x1], vm0;
	_ =	sdelay $0x2  }
0x67: {  	p2 =	slt.s32 s23, s21;
	s0 =	smov.u32 s21  }
0x68: {  	s2 =	smov.u32 s22;
	s25 =	simm.s32 $0x0;
	s0 =	smov.u32 @p2 s23  }
.LBB2_8:
0x69: {  	(v2sf) =	vpush v2, s25;
	_ =	sdelay $0xc  }
0x6a: {  	s25 =	sadd.s32 $0x1, s25  }
0x6b: {  	s31 =	sadd.s32 s25, s24  }
0x6c: {  	p2 =	slt.s32 s31, s0;
	s8 =	spop (v2sf)  }
.Ltmp7:
0x6d: {  	s8 =	sshll.u32 s8, $0x4;
	(pc) =	sbr.rel @p2 .LBB2_8-.Ltmp7, $4  }
0x6e: {  	s8 =	sand.u32 $0x1FFFFFF0, s8  }
0x6f: {  	s8 =	sadd.s32 s4, s8  }
0x70: {  	[tilespmem:s2], [sflag:$0x7] =	stream.linear.gather [hbm4b:s8+s15], $0x40, $0x38;
	[tilespmem:$0x1EF78] =	vst v63  }
0x71: {  	s2 =	sadd.s32 $0x80, s2  }
.Ltmp8:
0x72: {  	_ = 	snop;
	(pc) =	sbr.rel .LBB2_5-.Ltmp8, $1  }
0x73: {  	_ =	sdelay $0x3  }
.LBB2_9:
0x74: {  	p2 =	slt.u32 s19, $0x2  }
.Ltmp9:
0x75: {  	_ = 	snop;
	(pc) =	sbr.rel @p2 .LBB2_27-.Ltmp9, $1  }
0x76: {  	_ =	sdelay $0x3  }
0x77: {  	p2 =	sgt.s32 s20, $0x296D0;
	s0 =	smov.u32 s20  }
0x78: {  	s2 =	sshra.s32 s20, $0x1F;
	s8 =	ssub.s32 $0x29810, s20;
	s0 =	simm.s32 @!p2 $0x296D0  }
0x79: {  	s2 =	sand.u32 s2, s20;
	p2 =	slt.s32 s8, $0x140;
	s21 =	smov.u32 s8  }
0x7a: {  	s0 =	ssub.s32 s0, s2;
	s21 =	simm.s32 @!p2 $0x140  }
0x7b: {  	s0 =	sadd.s32 $0xFFFD6930, s0;
	s26 =	sshll.u32 s21, $0x6  }
0x7c: {  	s9 =	simm.s32 $0x7;
	s29 =	sshll.u32 s0, $0x2;
	s2 =	sand.u32 $0x3FFFFFC0, s26  }
0x7d: {  	p2 =	sgt.s32 s0, $0x13F;
	s30 =	ssub.s32 $0x500, s29;
	_ =	swait.ge [sflag:s9], s2  }
0x7e: {  	s2 =	ssub.s32 $0x0, s2;
	[sflag:s9] =	ssyncset.done $0x0;
	s0 =	sshrl.u32 s30, $0x2  }
0x7f: {  	[sflag:s9] =	ssyncadd.s32 s2;
	s0 =	simm.s32 @p2 $0x0  }
0x80: {  	_ =	swait.ge [sflag:s10], s0  }
0x81: {  	s0 =	ssub.s32 $0x0, s0;
	[sflag:s10] =	ssyncset.done $0x0  }
0x82: {  	[sflag:s10] =	ssyncadd.s32 s0  }
0x83: {  	v1 =	vld [tilespmem:$0xA108];
	_ =	sdelay $0x4  }
0x84: {  	(v2sf) =	vpush v1, $0x0  }
0x85: {  	(v2sf) =	vpush v1, $0x1  }
0x86: {  	(v2sf) =	vpush v1, $0x2;
	_ =	sdelay $0x3  }
0x87: {  	s0 =	sadd.s32 $0x140, s20  }
0x88: {  	p2 =	slt.s32 s7, s0  }
0x89: {  	s0 =	smov.u32 @p2 s7;
	p2 =	sgt.s32 s8, $0x0  }
0x8a: {  	s24 =	ssub.s32 s0, s20;
	s8 =	simm.s32 @!p2 $0x0  }
0x8b: {  	p2 =	slt.s32 s8, s24  }
0x8c: {  	s24 =	smov.u32 @p2 s8  }
0x8d: {  	s23 =	simm.s32 $0x1;
	p2 =	slt.s32 s24, $0x1  }
.Ltmp10:
0x8e: {  	s23 =	simm.s32 @!p1 $0x0;
	(pc) =	sbr.rel @p2 .LBB2_14-.Ltmp10, $4  }
0x8f: {  	s31 =	smul.u32 $0x500, s23  }
0x90: {  	s25 =	spop (v2sf)  }
0x91: {  	s0 =	sshrl.u32 s31, $0x2;
	s28 =	spop (v2sf)  }
0x92: {  	s21 =	sadd.s32 $0xACF8, s0;
	s20 =	spop (v2sf)  }
0x93: {  	s0 =	smin.u32 s24, $0x10  }
0x94: {  	v1 =	vmov s0  }
0x95: {  	p3 =	sgt.s32 s24, $0x10;
	vm1 =	vgt.u32 v1, v0  }
.Ltmp11:
0x96: {  	_ = 	snop;
	(pc) =	sbr.rel @!p3 .LBB2_13-.Ltmp11, $2  }
0x97: {  	_ =	sdelay $0x2  }
0x98: {  	s26 =	simm.s32 $0x10;
	s29 =	sadd.s32 $0xFFFFFFF0, s24;
	s22 =	smov.u32 s21;
	vm0 =	vmmov vm1  }
.LBB2_12:
0x99: {  	s0 =	smin.u32 s29, $0x10;
	s26 =	sadd.s32 $0x10, s26;
	v1 =	vld.msk [tilespmem:s22+$0x0 ss:$0x1], vm1  }
0x9a: {  	v2 =	vmov s0;
	p3 =	slt.s32 s26, s24  }
0x9b: {  	vm1 =	vgt.u32 v2, v0  }
.Ltmp12:
0x9c: {  	(pc) =	sbr.rel @p3 .LBB2_12-.Ltmp12, $3  }
0x9d: {  	_ =	sdelay $0x1  }
0x9e: {  	v1 =	vshll.u32 v1, $0x4  }
0x9f: {  	s29 =	sadd.s32 $0xFFFFFFF0, s29;
	[tilespmem:s22+$0x0] =	vst.msk vm0, v1;
	s22 =	sadd.s32 $0x10, s22;
	vm0 =	vmmov vm1  }
.LBB2_13:
0xa0: {  	_ =	sdelay $0x4  }
0xa1: {  	v1 =	vld.msk [tilespmem:s22+$0x0 ss:$0x1], vm1;
	_ =	sdelay $0x4  }
0xa2: {  	v1 =	vshll.u32 v1, $0x4  }
0xa3: {  	[tilespmem:s22+$0x0] =	vst.msk vm0, v1  }
.LBB2_14:
0xa4: {  	s0 =	sand.u32 $0x1, s19  }
0xa5: {  	s0 =	smul.u32 $0x140, s0  }
0xa6: {  	p3 =	sne.s32 s28, $0xFFFFFFFF  }
0xa7: {  	v1 =	vld.msk @!p3 [tilespmem:s0+$0xACF8], $0x1;
	_ =	sdelay $0x4  }
0xa8: {  	(v2sf) =	vpush @!p3 v1, $0x0;
	_ =	sdelay $0xc  }
.Ltmp13:
0xa9: {  	_ = 	snop;
	(pc) =	sbr.rel @p2 .LBB2_25-.Ltmp13, $4  }
0xaa: {  	_ = 	snop  }
0xab: {  	s26 =	spop @!p3 (v2sf)  }
0xac: {  	s20 =	simm.s32 @!p3 $0x0;
	s22 =	smov.u32 s26  }
0xad: {  	[sflag:s16] =	ssyncpa.u1 $0x0;
	s26 =	smov.u32 @p3 s25;
	s22 =	smov.u32 @p3 s28  }
0xae: {  	v1 =	vld.msk [tilespmem:s21+$0x0], $0x1;
	_ =	sdelay $0x4  }
0xaf: {  	(v2sf) =	vpush v1, $0x0;
	_ =	sdelay $0xe  }
0xb0: {  	s0 =	smul.u32 $0x28000, s23;
	s30 =	spop (v2sf)  }
0xb1: {  	s24 =	ssub.s32 $0x0, s24;
	p2 =	seq.s32 s26, s30  }
0xb2: {  	s28 =	sadd.s32 $0x1, s24;
	s0 =	sshrl.u32 s0, $0x2;
	p3 =	sgt.s32 @!p2 s26, $0x0  }
0xb3: {  	s23 =	sadd.s32 $0xAF98, s0;
	s0 =	smov.u32 s26;
	p3 =	por !p3, p2  }
0xb4: {  	s0 =	simm.s32 @p3 $0x0;
	p3 =	seq.s32 s28, $0x0  }
.Ltmp14:
0xb5: {  	_ = 	snop;
	(pc) =	sbr.rel @p3 .LBB2_17-.Ltmp14, $4  }
0xb6: {  	_ = 	snop  }
0xb7: {  	s25 =	simm.s32 $0x0;
	s31 =	simm.s32 @!p2 $0x1;
	s2 =	smin.u32 @!p2 s0, $0x270F8  }
0xb8: {  	s29 =	sadd.s32 $0x1, s21;
	s31 =	smov.u32 @p2 s25;
	s8 =	sand.u32 @!p2 $0x3FFF8, s2  }
0xb9: {  	s0 =	simm.s32 @!p2 $0x50C8;
	s2 =	sand.u32 @!p2 $0x7, s2;
	s8 =	sadd.s32 @!p2 s1, s8  }
.LBB2_16:
0xba: {  	s9 =	smov.u32 s31  }
0xbb: {  	[tilespmem:s0], [sflag:$0x2] =	stream.linear.gather @!p2 [hbm4b:s8+s2], $0x40, $0x38;
	[tilespmem:$0x1EF78] =	vst v63  }
0xbc: {  	s28 =	sadd.s32 $0x1, s28;
	s2 =	smov.u32 s30;
	v1 =	vld.msk [tilespmem:s29+$0x0], $0x1  }
0xbd: {  	p3 =	seq.s32 s28, $0x0;
	_ =	sdelay $0x3  }
0xbe: {  	(v2sf) =	vpush v1, $0x0;
	_ =	sdelay $0xe  }
0xbf: {  	s30 =	spop (v2sf)  }
0xc0: {  	p2 =	seq.s32 s2, s30  }
0xc1: {  	p4 =	sgt.s32 @!p2 s2, $0x0;
	s0 =	sshll.u32 @!p2 s31, $0x8;
	s31 =	sadd.s32 @!p2 $0x1, s31  }
.Ltmp15:
0xc2: {  	p4 =	por !p4, p2;
	s0 =	sshra.s32 @!p2 s0, $0x2;
	(pc) =	sbr.rel @!p3 .LBB2_16-.Ltmp15, $4  }
0xc3: {  	s31 =	smov.u32 @p2 s9;
	s2 =	simm.s32 @p4 $0x0;
	s0 =	sadd.s32 @!p2 $0x50C8, s0  }
0xc4: {  	s2 =	smin.u32 @!p2 s2, $0x270F8  }
0xc5: {  	s8 =	sand.u32 @!p2 $0x3FFF8, s2;
	s2 =	sand.u32 @!p2 $0x7, s2  }
0xc6: {  	s29 =	sadd.s32 $0x1, s29;
	s8 =	sadd.s32 @!p2 s1, s8  }
.LBB2_17:
0xc7: {  	[tilespmem:s0], [sflag:$0x2] =	stream.linear.gather @!p2 [hbm4b:s8+s2], $0x40, $0x38;
	[tilespmem:$0x1EF78] =	vst v63  }
.Ltmp16:
0xc8: {  	s30 =	sshll.u32 s31, $0x6;
	(pc) =	sbr.rel .LBB2_18-.Ltmp16, $4  }
0xc9: {  	s31 =	simm.s32 $0x2;
	s0 =	sand.u32 $0x3FFFFFC0, s30  }
0xca: {  	_ =	swait.ge [sflag:s31], s0  }
0xcb: {  	s0 =	ssub.s32 $0x0, s0;
	[sflag:s31] =	ssyncset.done $0x0  }
0xcc: {  	s29 =	simm.s32 $0x0;
	[sflag:s31] =	ssyncadd.s32 s0  }
.LBB2_19:
0xcd: {  	v1 =	vld [tilespmem:s23+$0xFFFFFFE0];
	_ =	sdelay $0x4  }
0xce: {  	[tilespmem:s30+$0x88] =	vst.add.f32.msk $0xffff, v1  }
0xcf: {  	v1 =	vld [tilespmem:s23+$0xFFFFFFF0];
	_ =	sdelay $0x4  }
0xd0: {  	[tilespmem:s30+$0x98] =	vst.add.f32.msk $0xffff, v1  }
0xd1: {  	v1 =	vld [tilespmem:s23+$0x0];
	_ =	sdelay $0x4  }
0xd2: {  	[tilespmem:s30+$0xA8] =	vst.add.f32.msk $0xffff, v1  }
0xd3: {  	v1 =	vld [tilespmem:s23+$0x10];
	_ =	sdelay $0x4  }
0xd4: {  	[tilespmem:s30+$0xB8] =	vst.add.f32.msk $0xffff, v1  }
.LBB2_23:
0xd5: {  	s24 =	sadd.s32 $0x1, s24  }
0xd6: {  	p2 =	seq.s32 s24, $0x0  }
.Ltmp17:
0xd7: {  	_ = 	snop;
	(pc) =	sbr.rel @p2 .LBB2_24-.Ltmp17, $2  }
0xd8: {  	_ =	sdelay $0x2  }
0xd9: {  	s23 =	sadd.s32 $0x80, s23;
	s21 =	sadd.s32 $0x1, s21;
	s26 =	smov.u32 s28  }
.LBB2_18:
0xda: {  	v1 =	vld.msk [tilespmem:s21+$0x0], $0x1;
	_ =	sdelay $0x4  }
0xdb: {  	(v2sf) =	vpush v1, $0x0;
	_ =	sdelay $0xe  }
0xdc: {  	s28 =	spop (v2sf)  }
0xdd: {  	p2 =	sne.s32 s26, s28  }
.Ltmp18:
0xde: {  	_ = 	snop;
	(pc) =	sbr.rel @!p2 .LBB2_19-.Ltmp18, $3  }
0xdf: {  	_ =	sdelay $0x1  }
0xe0: {  	s0 =	sshll.u32 s20, $0x8  }
0xe1: {  	s30 =	sshra.s32 s0, $0x2  }
0xe2: {  	p2 =	seq.s32 s26, s22  }
.Ltmp19:
0xe3: {  	_ = 	snop;
	(pc) =	sbr.rel @!p2 .LBB2_21-.Ltmp19, $1  }
0xe4: {  	_ =	sdelay $0x3  }
.Ltmp20:
0xe5: {  	s0 =	sadd.s32 $0x88, s30;
	(pc) =	sbr.rel .LBB2_22-.Ltmp20, $4  }
0xe6: {  	[spmem:s13] =	stream.linear.scatter [tilespmem:s0], [sflag:$0x1], $0x40, $0x38;
	[tilespmem:$0x1EF78] =	vst v63  }
0xe7: {  	_ =	swait.ge [sflag:s11], $0x40  }
0xe8: {  	[sflag:s11] =	ssyncset.done $0x0  }
0xe9: {  	[sflag:s11] =	ssyncadd.s32 $0xFFFFFFC0  }
.LBB2_21:
0xea: {  	s0 =	sshll.u32 s25, $0x8  }
0xeb: {  	s0 =	sshra.s32 s0, $0x2  }
0xec: {  	v1 =	vld [tilespmem:s0+$0x50C8];
	_ =	sdelay $0x4  }
0xed: {  	[tilespmem:s30+$0x88] =	vst.add.f32.msk $0xffff, v1  }
0xee: {  	v1 =	vld [tilespmem:s0+$0x50D8];
	_ =	sdelay $0x4  }
0xef: {  	[tilespmem:s30+$0x98] =	vst.add.f32.msk $0xffff, v1  }
0xf0: {  	v1 =	vld [tilespmem:s0+$0x50E8];
	_ =	sdelay $0x4  }
0xf1: {  	[tilespmem:s30+$0xA8] =	vst.add.f32.msk $0xffff, v1  }
0xf2: {  	v1 =	vld [tilespmem:s0+$0x50F8];
	_ =	sdelay $0x2  }
0xf3: {  	p2 =	sgt.u32 s26, $0x270F8  }
0xf4: {  	s0 =	sand.u32 @!p2 $0x3FFF8, s26  }
0xf5: {  	s2 =	sadd.s32 $0x88, s30;
	s8 =	sand.u32 @!p2 $0x7, s26;
	s0 =	sadd.s32 @!p2 s1, s0;
	[tilespmem:s30+$0xB8] =	vst.add.f32.msk $0xffff, v1  }
0xf6: {  	[hbm4b:s0+s8] =	stream.linear.scatter @!p2 [tilespmem:s2], [sflag:$0xA], $0x40, $0x38;
	[tilespmem:$0x1EF78] =	vst v63  }
0xf7: {  	s0 =	simm.s32 $0x0  }
0xf8: {  	s0 =	simm.s32 @!p2 $0x100  }
0xf9: {  	s29 =	sadd.s32 s0, s29  }
.LBB2_22:
0xfa: {  	s0 =	sadd.s32 $0x1, s20  }
0xfb: {  	s2 =	smulhi.u32 $0xCCCCCCCD, s0;
	_ =	sdelay $0x1  }
0xfc: {  	v1 =	vld [tilespmem:s23+$0xFFFFFFE0];
	s2 =	sshrl.u32 s2, $0x8  }
0xfd: {  	s2 =	smul.u32 $0x140, s2;
	_ =	sdelay $0x1  }
0xfe: {  	s20 =	ssub.s32 s0, s2  }
0xff: {  	s0 =	sshll.u32 s20, $0x6  }
0x100: {  	[tilespmem:s0+$0x88] =	vst v1  }
0x101: {  	v1 =	vld [tilespmem:s23+$0xFFFFFFF0];
	_ =	sdelay $0x4  }
0x102: {  	[tilespmem:s0+$0x98] =	vst v1  }
0x103: {  	v1 =	vld [tilespmem:s23+$0x0];
	_ =	sdelay $0x4  }
0x104: {  	[tilespmem:s0+$0xA8] =	vst v1  }
0x105: {  	v1 =	vld [tilespmem:s23+$0x10]  }
.Ltmp21:
0x106: {  	_ = 	snop;
	(pc) =	sbr.rel .LBB2_23-.Ltmp21, $2  }
0x107: {  	_ =	sdelay $0x2  }
0x108: {  	s25 =	sadd.s32 $0x1, s25;
	[tilespmem:s0+$0xB8] =	vst v1  }
.LBB2_25:
.Ltmp22:
0x109: {  	(pc) =	sbr.rel .LBB2_26-.Ltmp22, $4  }
0x10a: {  	_ = 	snop  }
0x10b: {  	s0 =	simm.s32 $0x2  }
0x10c: {  	_ =	swait.ge [sflag:s0], $0x0  }
0x10d: {  	s28 =	smov.u32 s26;
	[sflag:s0] =	ssyncset.done $0x0;
	s0 =	simm.s32 $0x0  }
.LBB2_28:
0x10e: {  	_ =	sfence.sel $0x180000  }
0x10f: {  	s0 =	simm.s32 $0x7;
	[bflag:$0x0] =	sbarrier.arrive $0xFFFF  }
0x110: {  	s25 =	simm.s32 $0x8;
	[sflag:s0] =	ssyncpa.u1 $0x1  }
0x111: {  	s26 =	simm.s32 $0x9;
	[sflag:s25] =	ssyncpa.u1 $0x1  }
0x112: {  	s28 =	simm.s32 $0x2;
	[sflag:s26] =	ssyncpa.u1 $0x1  }
0x113: {  	[sflag:s28] =	ssyncpa.u1 $0x1  }
0x114: {  	v0 =	vld [tilespmem:$0xA108];
	_ =	sdelay $0x4  }
0x115: {  	(v2sf) =	vpush v0, $0x0  }
0x116: {  	(v2sf) =	vpush v0, $0x1;
	_ =	sdelay $0x1  }
0x117: {  	(v2sf) =	vpush v0, $0x2;
	_ =	sdelay $0xb  }
0x118: {  	s0 =	spop (v2sf)  }
0x119: {  	s2 =	spop (v2sf)  }
0x11a: {  	s3 =	smov.u32 s0;
	p0 =	sne.s32 s0, s2  }
0x11b: {  	s4 =	spop (v2sf);
	s3 =	simm.s32 @!p0 $0xFFFFFFFF  }
0x11c: {  	v2 =	vimm.s32 $0x1;
	v3 =	vlaneseq.u32;
	p0 =	seq.s32 s4, $0xFFFFFFFF;
	v1 =	vmov s3  }
0x11d: {  	s7 =	stileid.u32;
	v0 =	vperm.xlane v0, v2;
	p1 =	sne.s32 @!p0 s0, s2;
	v1 =	vperm.xlane v1, v3  }
0x11e: {  	vm0 =	vcmask $0x3F04;
	s6 =	simm.s32 $0xA108;
	s0 =	simm.s32 @!p0 $0x1;
	p1 =	por !p1, p0  }
0x11f: {  	s3 =	sshll.u32 s7, $0x1;
	s2 =	sshll.u32 @!p0 s4, $0x8;
	s0 =	simm.s32 @p1 $0x0;
	v0 =	vsel vm0, v1, v0  }
0x120: {  	s5 =	sor.u32 $0x800, s3;
	s2 =	sshra.s32 @!p0 s2, $0x2;
	s0 =	sor.u32 @!p0 s0, s3;
	[tilespmem:$0xA108] =	vst v0  }
0x121: {  	[spmem:s5] =	stream.linear.scatter [tilespmem:s6], [sflag:$0x1], $0x2, $0x38;
	[tilespmem:$0x1EF78] =	vst v63  }
0x122: {  	s2 =	sadd.s32 @!p0 $0x88, s2;
	s0 =	sshll.u32 @!p0 s0, $0x6  }
0x123: {  	[spmem:s0] =	stream.linear.scatter @!p0 [tilespmem:s2], [sflag:$0x1], $0x40, $0x38;
	[tilespmem:$0x1EF78] =	vst v63  }
0x124: {  	s2 =	simm.s32 @!p0 $0x42  }
0x125: {  	s0 =	simm.s32 $0x1;
	s2 =	simm.s32 @p0 $0x2  }
0x126: {  	_ =	swait.ge [sflag:s0], s2  }
0x127: {  	s2 =	ssub.s32 $0x0, s2;
	[sflag:s0] =	ssyncset.done $0x0  }
0x128: {  	[sflag:s0] =	ssyncadd.s32 s2  }
0x129: {  	_ =	sfence.stream.spmem  }
0x12a: {  	s29 =	simm.s32 $0x3;
	[bflag:$0x0] =	sbarrier.arrive $0xFFFF  }
0x12b: {  	s30 =	simm.s32 $0x4;
	[sflag:s29] =	ssyncpa.u1 $0x1  }
0x12c: {  	s31 =	simm.s32 $0x3C;
	[sflag:s30] =	ssyncpa.u1 $0x1  }
0x12d: {  	p0 =	sne.s32 s7, $0x0;
	[sflag:s31] =	ssyncpa.u1 $0x1  }
0x12e: {  	_ =	sfence @p0  }
0x12f: {  	[sflag:s0] =	ssyncpa.u1 @p0 $0x1  }
0x130: {  	_ =	strace @p0 $0x9000004D  }
0x131: {  	[bflag:$0x2] =	sbarrier.arrive @p0 $0xFFFF  }
0x132: {  	_ =	shalt @p0  }
.LBB2_29:
0x133: {  	_ =	sfence.stream.spmem;
	s0 =	simm.s32 $0x5  }
0x134: {  	s2 =	simm.s32 $0x800;
	s3 =	simm.s32 $0xA118;
	[sflag:s0] =	ssyncpa.u1 $0x0  }
0x135: {  	[tilespmem:s3], [sflag:$0x5] =	stream.linear.gather [spmem:s2], $0x20, $0x38;
	[tilespmem:$0x1EF78] =	vst v63  }
0x136: {  	s30 =	simm.s32 $0xA138;
	s2 =	simm.s32 $0x0  }
0x137: {  	[tilespmem:s30], [sflag:$0x5] =	stream.linear.gather [spmem:s2], $0x800, $0x38;
	[tilespmem:$0x1EF78] =	vst v63  }
.Ltmp23:
0x138: {  	_ = 	snop;
	(pc) =	sbr.rel .LBB2_30-.Ltmp23, $4  }
0x139: {  	_ =	swait.ge [sflag:s0], $0x820  }
0x13a: {  	[sflag:s0] =	ssyncset.done $0x0  }
0x13b: {  	s31 =	simm.s32 $0x6;
	[sflag:s0] =	ssyncadd.s32 $0xFFFFF7E0  }
0x13c: {  	s3 =	simm.s32 $0x0;
	[sflag:s31] =	ssyncpa.u1 $0x0  }
.LBB2_36:
0x13d: {  	p0 =	slt.u32 s4, $0x270F9  }
0x13e: {  	s0 =	sand.u32 @p0 $0x3FFF8, s4  }
0x13f: {  	s4 =	sand.u32 @p0 $0x7, s4;
	s5 =	simm.s32 @p0 $0xA0C8;
	s0 =	sadd.s32 @p0 s1, s0  }
0x140: {  	[tilespmem:s5], [sflag:$0x6] =	stream.linear.gather @p0 [hbm4b:s0+s4], $0x40, $0x38;
	[tilespmem:$0x1EF78] =	vst v63  }
0x141: {  	s0 =	simm.s32 @p0 $0x6  }
0x142: {  	_ =	swait.ge @p0 [sflag:s0], $0x40  }
0x143: {  	[sflag:s0] =	ssyncset.done @p0 $0x0  }
0x144: {  	[sflag:s0] =	ssyncadd.s32 @p0 $0xFFFFFFC0  }
0x145: {  	v1 =	vld @p0 [tilespmem:$0xA0C8];
	_ =	sdelay $0x2  }
0x146: {  	s0 =	sshll.u32 @p0 s3, $0x8  }
0x147: {  	s4 =	sshrl.u32 @p0 s0, $0x2  }
0x148: {  	[tilespmem:s4+$0xA138] =	vst.add.f32.msk @p0 $0xffff, v1  }
0x149: {  	v1 =	vld @p0 [tilespmem:$0xA0D8];
	_ =	sdelay $0x4  }
0x14a: {  	[tilespmem:s4+$0xA148] =	vst.add.f32.msk @p0 $0xffff, v1  }
0x14b: {  	v1 =	vld @p0 [tilespmem:$0xA0E8];
	_ =	sdelay $0x4  }
0x14c: {  	[tilespmem:s4+$0xA158] =	vst.add.f32.msk @p0 $0xffff, v1  }
0x14d: {  	v1 =	vld @p0 [tilespmem:$0xA0F8];
	_ =	sdelay $0x3  }
0x14e: {  	s5 =	sshll.u32 @!p0 s3, $0x8  }
0x14f: {  	s5 =	smov.u32 @p0 s0;
	[tilespmem:s4+$0xA168] =	vst.add.f32.msk @p0 $0xffff, v1  }
0x150: {  	s0 =	sshrl.u32 s5, $0x2;
	[tilespmem:s2+$0xA118] =	vst.msk $0x1, v0  }
0x151: {  	v0 =	vld [tilespmem:s0+$0xA138];
	_ =	sdelay $0x2  }
0x152: {  	s31 =	sshll.u32 s2, $0x8  }
0x153: {  	s4 =	sshra.s32 s31, $0x2  }
0x154: {  	[tilespmem:s4+$0xA138] =	vst v0  }
0x155: {  	v0 =	vld [tilespmem:s0+$0xA148];
	_ =	sdelay $0x4  }
0x156: {  	[tilespmem:s4+$0xA148] =	vst v0  }
0x157: {  	v0 =	vld [tilespmem:s0+$0xA158];
	_ =	sdelay $0x4  }
0x158: {  	[tilespmem:s4+$0xA158] =	vst v0  }
0x159: {  	v0 =	vld [tilespmem:s0+$0xA168];
	_ =	sdelay $0x4  }
0x15a: {  	s2 =	sadd.s32 $0x1, s2;
	[tilespmem:s4+$0xA168] =	vst v0  }
.LBB2_37:
0x15b: {  	s3 =	sadd.s32 $0x1, s3  }
0x15c: {  	p0 =	sne.s32 s3, $0x20  }
.Ltmp24:
0x15d: {  	_ = 	snop;
	(pc) =	sbr.rel @!p0 .LBB2_38-.Ltmp24, $1  }
0x15e: {  	_ =	sdelay $0x3  }
.LBB2_30:
0x15f: {  	v0 =	vld.msk [tilespmem:s3+$0xA118], $0x1;
	_ =	sdelay $0x4  }
0x160: {  	(v2sf) =	vpush v0, $0x0;
	_ =	sdelay $0xe  }
0x161: {  	s4 =	spop (v2sf)  }
0x162: {  	p0 =	seq.s32 s4, $0xFFFFFFFF  }
.Ltmp25:
0x163: {  	_ = 	snop;
	(pc) =	sbr.rel @p0 .LBB2_37-.Ltmp25, $1  }
0x164: {  	_ =	sdelay $0x3  }
0x165: {  	p0 =	slt.s32 s2, $0x1  }
.Ltmp26:
0x166: {  	_ = 	snop;
	(pc) =	sbr.rel @p0 .LBB2_36-.Ltmp26, $1  }
0x167: {  	_ =	sdelay $0x3  }
0x168: {  	s5 =	simm.s32 $0xA118;
	p0 =	por $0x0, $0x0  }
0x169: {  	v1 =	vld.msk @!p0 [tilespmem:s5+$0x0], $0x1;
	_ =	sdelay $0x4  }
0x16a: {  	(v2sf) =	vpush @!p0 v1, $0x0;
	_ =	sdelay $0xd  }
0x16b: {  	p2 =	sne.s32 s2, $0x1  }
.Ltmp27:
0x16c: {  	s0 =	spop @!p0 (v2sf);
	(pc) =	sbr.rel @!p2 .LBB2_34-.Ltmp27, $4  }
0x16d: {  	p1 =	seq.s32 @!p0 s4, s0  }
0x16e: {  	s6 =	simm.s32 $0x0;
	p1 =	por !p1, p0  }
0x16f: {  	s0 =	simm.s32 $0xFFFFFFFF;
	s6 =	simm.s32 @p1 $0xFFFFFFFF  }
0x170: {  	s7 =	simm.s32 $0x1;
	s6 =	smov.u32 @p0 s0  }
.LBB2_33:
0x171: {  	s0 =	smov.u32 s6;
	p0 =	sne.s32 s6, $0xFFFFFFFF  }
0x172: {  	s5 =	sadd.s32 $0x1, s5;
	s6 =	smov.u32 s7;
	s7 =	sadd.s32 $0x1, s7  }
0x173: {  	p1 =	sne.s32 s2, s7;
	v1 =	vld.msk @!p0 [tilespmem:s5+$0x0], $0x1;
	_ =	sdelay $0x4  }
0x174: {  	(v2sf) =	vpush @!p0 v1, $0x0;
	_ =	sdelay $0xe  }
.Ltmp28:
0x175: {  	s8 =	spop @!p0 (v2sf);
	(pc) =	sbr.rel @p1 .LBB2_33-.Ltmp28, $4  }
0x176: {  	p2 =	seq.s32 @!p0 s4, s8  }
0x177: {  	p2 =	por !p2, p0  }
0x178: {  	s6 =	simm.s32 @p2 $0xFFFFFFFF  }
0x179: {  	s6 =	smov.u32 @p0 s0  }
.LBB2_34:
0x17a: {  	p0 =	seq.s32 s6, $0xFFFFFFFF  }
.Ltmp29:
0x17b: {  	_ = 	snop;
	(pc) =	sbr.rel @p0 .LBB2_36-.Ltmp29, $1  }
0x17c: {  	_ =	sdelay $0x3  }
0x17d: {  	s0 =	sshll.u32 s3, $0x6  }
0x17e: {  	s0 =	sand.u32 $0x3FFFFFC0, s0  }
0x17f: {  	v0 =	vld [tilespmem:s0+$0xA138];
	_ =	sdelay $0x2  }
0x180: {  	s4 =	sshll.u32 s6, $0x8  }
0x181: {  	s4 =	sshra.s32 s4, $0x2  }
0x182: {  	[tilespmem:s4+$0xA138] =	vst.add.f32.msk $0xffff, v0  }
0x183: {  	v0 =	vld [tilespmem:s0+$0xA148];
	_ =	sdelay $0x4  }
0x184: {  	[tilespmem:s4+$0xA148] =	vst.add.f32.msk $0xffff, v0  }
0x185: {  	v0 =	vld [tilespmem:s0+$0xA158];
	_ =	sdelay $0x4  }
0x186: {  	[tilespmem:s4+$0xA158] =	vst.add.f32.msk $0xffff, v0  }
0x187: {  	v0 =	vld [tilespmem:s0+$0xA168]  }
.Ltmp30:
0x188: {  	_ = 	snop;
	(pc) =	sbr.rel .LBB2_37-.Ltmp30, $2  }
0x189: {  	_ =	sdelay $0x2  }
0x18a: {  	[tilespmem:s4+$0xA168] =	vst.add.f32.msk $0xffff, v0  }
.LBB2_38:
0x18b: {  	p0 =	slt.s32 s2, $0x1  }
.Ltmp31:
0x18c: {  	_ = 	snop;
	(pc) =	sbr.rel @p0 .LBB2_42-.Ltmp31, $3  }
0x18d: {  	_ =	sdelay $0x1  }
0x18e: {  	s0 =	simm.s32 $0x6  }
0x18f: {  	s3 =	simm.s32 $0x0;
	[sflag:s0] =	ssyncpa.u1 $0x1  }
0x190: {  	s0 =	simm.s32 $0xA118  }
0x191: {  	v0 =	vld.msk [tilespmem:s0+$0x0], $0x1;
	_ =	sdelay $0x4  }
0x192: {  	(v2sf) =	vpush v0, $0x0;
	_ =	sdelay $0xe  }
0x193: {  	s2 =	sadd.s32 $0xFFFFFFFF, s2;
	s0 =	spop (v2sf)  }
0x194: {  	p1 =	sne.s32 s2, $0x0;
	p0 =	sgt.u32 s0, $0x270F8  }
.Ltmp32:
0x195: {  	s5 =	sand.u32 @!p0 $0x3FFF8, s0;
	(pc) =	sbr.rel @!p1 .LBB2_41-.Ltmp32, $4  }
0x196: {  	s4 =	simm.s32 $0xA138;
	s0 =	sand.u32 @!p0 $0x7, s0;
	s5 =	sadd.s32 @!p0 s1, s5  }
0x197: {  	[hbm4b:s5+s0] =	stream.linear.scatter @!p0 [tilespmem:s4], [sflag:$0x5], $0x40, $0x38;
	[tilespmem:$0x1EF78] =	vst v63  }
0x198: {  	s0 =	simm.s32 $0x0  }
0x199: {  	s5 =	simm.s32 $0xA119;
	s0 =	simm.s32 @!p0 $0x100  }
.LBB2_40:
0x19a: {  	v0 =	vld.msk [tilespmem:s5+$0x0], $0x1;
	s2 =	sadd.s32 $0xFFFFFFFF, s2;
	s3 =	sadd.s32 s3, s0  }
0x19b: {  	p0 =	sne.s32 s2, $0x0;
	_ =	sdelay $0x3  }
0x19c: {  	(v2sf) =	vpush v0, $0x0;
	_ =	sdelay $0xe  }
.Ltmp33:
0x19d: {  	s6 =	spop (v2sf);
	(pc) =	sbr.rel @p0 .LBB2_40-.Ltmp33, $4  }
0x19e: {  	s0 =	simm.s32 $0x0;
	p1 =	sgt.u32 s6, $0x270F8  }
0x19f: {  	s4 =	sadd.s32 $0x40, s4;
	s0 =	simm.s32 @!p1 $0x100;
	s7 =	sand.u32 @!p1 $0x3FFF8, s6  }
0x1a0: {  	s5 =	sadd.s32 $0x1, s5;
	s6 =	sand.u32 @!p1 $0x7, s6;
	s7 =	sadd.s32 @!p1 s1, s7  }
0x1a1: {  	[hbm4b:s7+s6] =	stream.linear.scatter @!p1 [tilespmem:s4], [sflag:$0x5], $0x40, $0x38;
	[tilespmem:$0x1EF78] =	vst v63  }
.LBB2_41:
0x1a2: {  	s0 =	sadd.s32 s3, s0  }
0x1a3: {  	s3 =	sshrl.u32 s0, $0x2  }
.LBB2_42:
0x1a4: {  	s0 =	simm.s32 $0x5  }
0x1a5: {  	_ =	swait.ge [sflag:s0], s3  }
0x1a6: {  	s1 =	ssub.s32 $0x0, s3;
	[sflag:s0] =	ssyncset.done $0x0  }
0x1a7: {  	[sflag:s0] =	ssyncadd.s32 s1  }
0x1a8: {  	[sflag:s0] =	ssyncpa.u1 $0x1  }
0x1a9: {  	s30 =	simm.s32 $0x1;
	_ =	sfence  }
0x1aa: {  	[sflag:s30] =	ssyncpa.u1 $0x1  }
0x1ab: {  	_ =	strace $0x9000004D  }
0x1ac: {  	[bflag:$0x2] =	sbarrier.arrive $0xFFFF  }
0x1ad: {  	s31 =	rddreg [dreg:$0x1]  }
0x1ae: {  	s0 =	sadd.s32 $0x100000, s31  }
0x1af: {  	[sflag:s0] =	ssyncadd.tile.s32 $0x1;
	_ =	shalt  }
.Lfunc_end2:
_tile_overlayer_lowered:
.L_overlay_start_2:
0x1b0: {  	(tag) =	ssettag $0x2  }
0x1b1: {  	s0 =	rddreg [dreg:$0x0];
	s2 =	stileid.u32  }
0x1b2: {  	s1 =	rddreg [dreg:$0x1];
	p0 =	sne.s32 s2, $0x0  }
0x1b3: {  	s3 =	rddreg [dreg:$0x2];
	[bflag:$0x3] =	sbarrier.arrive $0xFFFF;
	s2 =	simm.s32 @!p0 $0x1C01  }
0x1b4: {  	[timem:s3], [sflag:s2] =	dma.local @!p0 [hbm:s0], s1  }
0x1b5: {  	s0 =	simm.s32 @!p0 $0x1  }
0x1b6: {  	_ =	swait.ge @!p0 [sflag:s0], s1  }
0x1b7: {  	s1 =	ssub.s32 @!p0 $0x0, s1;
	[sflag:s0] =	ssyncset.done @!p0 $0x0  }
0x1b8: {  	[sflag:s0] =	ssyncadd.s32 @!p0 s1  }
0x1b9: {  	[bflag:$0x3] =	sbarrier.arrive $0xFFFF  }
0x1ba: {  	_ =	shalt  }

// kernel: scatter_offload_async_start
scs
__scs_entry_jumppad:
0x0: {  	(pc) =	sbr.rel $0x88, $3  }
0x1: {  	(tag) =	ssettag $0x0;
	lr =	simm.s32 $0x1  }
0x2: {  	[smem:$0x3F97] =	sst lr;
	_ =	strace $0xD0000000  }
0x3: {  	_ = 	snop  }
0x4: {  	_ = 	snop  }
0x5: {  	_ = 	snop  }
0x6: {  	_ = 	snop  }
0x7: {  	_ = 	snop  }
__scs_overlays_trampoline_lowered:
0x8: {  	[smem:$0x3FA6] =	sst s0  }
0x9: {  	[smem:$0x3FA7] =	sst s1  }
0xa: {  	[smem:$0x3FA8] =	sst s2  }
0xb: {  	[smem:$0x3FA9] =	sst s3  }
0xc: {  	[smem:$0x3FAA] =	sst s4  }
0xd: {  	[smem:$0x3FAB] =	sst s5  }
0xe: {  	[smem:$0x3FAC] =	sst s6  }
0xf: {  	[smem:$0x3FAD] =	sst s7  }
0x10: {  	[smem:$0x3FAE] =	sst s8  }
0x11: {  	[smem:$0x3FAF] =	sst s9;
	s0 =	simm.s32 @!p0 $0x0  }
0x12: {  	s1 =	sld [smem:$0x3F95];
	s0 =	simm.s32 @p0 $0x1  }
0x13: {  	[smem:$0x3FB0] =	sst s0;
	s0 =	simm.s32 @!p1 $0x0  }
0x14: {  	s2 =	sld [smem:$0x3F94];
	s0 =	simm.s32 @p1 $0x1  }
0x15: {  	[smem:$0x3FB1] =	sst s0;
	s0 =	simm.s32 @!p2 $0x0  }
0x16: {  	s3 =	sld [smem:$0x3FDB];
	s0 =	simm.s32 @p2 $0x1  }
0x17: {  	s4 =	simm.s32 $0x1BF5;
	[smem:$0x3FB3] =	sst s0  }
0x18: {  	s0 =	sld [smem:$0x3F96];
	_ =	swait.ge [sflag:s4], $0x0  }
0x19: {  	s7 =	sld [smem:$0x3F97]  }
0x1a: {  	s8 =	sadd.s32 $0xFFFFE003, lr  }
0x1b: {  	s9 =	sadd.s32 $0xFFFFFEF7, lr;
	s5 =	simm.s32 $0xFFFFFFFF;
	p2 =	slt.u32 s8, $0xFFFFF086  }
0x1c: {  	p1 =	slt.u32 s9, $0xF7A;
	s5 =	simm.s32 @!p2 $0x0  }
0x1d: {  	s5 =	simm.s32 @p1 $0x1;
	p0 =	seq.s32 s7, s2  }
0x1e: {  	s7 =	smul.u32 @!p0 $0xF7A, s2;
	p2 =	seq.s32 @!p0 s5, $0x0  }
0x1f: {  	s9 =	smul.u32 $0xF7A, s1;
	s8 =	simm.s32 @!p0 $0x1BF5;
	p2 =	por !p2, p0  }
0x20: {  	[sflag:s8] =	ssyncset.s32 @!p0 $0xFFFFF086;
	s6 =	sadd.s32 @!p0 s3, s7;
	s7 =	simm.s32 @!p0 $0x108  }
0x21: {  	s3 =	sadd.s32 s3, s9;
	s6 =	sadd.s32 @!p0 $0x88, s6;
	s7 =	simm.s32 @p2 $0x1082  }
0x22: {  	[simem:s7], [sflag:s8] =	dma.local @!p0 [hbm:s6], $0xF7A  }
0x23: {  	s9 =	sor.u32 $0xD0000000, s2;
	s6 =	simm.s32 $0x108;
	_ =	swait.ge @!p0 [sflag:s8], $0x0  }
0x24: {  	s3 =	sadd.s32 $0x88, s3;
	s6 =	simm.s32 @!p1 $0x1082;
	[sflag:s4] =	ssyncset.s32 $0xFFFFF086  }
0x25: {  	[simem:s6], [sflag:s4] =	dma.local [hbm:s3], $0xF7A  }
0x26: {  	[smem:$0x3F97] =	sst s1;
	(tag) =	ssettag s2;
	_ =	strace s9  }
0x27: {  	s1 =	sld [smem:$0x3FA7]  }
0x28: {  	s2 =	sld [smem:$0x3FA8]  }
0x29: {  	s4 =	sld [smem:$0x3FAA]  }
0x2a: {  	p0 =	seq.s32 s5, $0x0;
	s5 =	sld [smem:$0x3FAB]  }
0x2b: {  	s6 =	sld [smem:$0x3FAC]  }
0x2c: {  	s7 =	sld [smem:$0x3FAD]  }
0x2d: {  	s3 =	simm.s32 $0x108;
	s8 =	sld [smem:$0x3FAE]  }
0x2e: {  	s3 =	simm.s32 @!p0 $0x1082;
	s9 =	sld [smem:$0x3FAF]  }
0x2f: {  	lr =	sadd.s32 s0, s3;
	s0 =	sld [smem:$0x3FA6]  }
0x30: {  	s3 =	sld [smem:$0x3FA9]  }
0x31: {  	[smem:$0x3FB2] =	sst s10  }
0x32: {  	s10 =	sld [smem:$0x3FB0];
	_ =	sdelay $0x3  }
0x33: {  	p0 =	seq.s32 s10, $0x1;
	s10 =	sld [smem:$0x3FB2];
	_ =	sdelay $0x3  }
0x34: {  	[smem:$0x3FB2] =	sst s10  }
0x35: {  	s10 =	sld [smem:$0x3FB1];
	_ =	sdelay $0x3  }
0x36: {  	p1 =	seq.s32 s10, $0x1;
	s10 =	sld [smem:$0x3FB2];
	_ =	sdelay $0x3  }
0x37: {  	[smem:$0x3FB2] =	sst s10  }
0x38: {  	s10 =	sld [smem:$0x3FB3]  }
0x39: {  	_ = 	snop;
	(pc) =	sbr.ind lr, $3  }
0x3a: {  	_ = 	snop  }
0x3b: {  	_ = 	snop  }
0x3c: {  	p2 =	seq.s32 s10, $0x1;
	s10 =	sld [smem:$0x3FB2]  }
0x3d: {  	_ =	shalt  }
0x3e: {  	_ =	shalt  }
0x3f: {  	_ =	shalt  }
0x40: {  	_ =	shalt  }
0x41: {  	_ =	shalt  }
0x42: {  	_ =	shalt  }
0x43: {  	_ =	shalt  }
0x44: {  	_ =	shalt  }
0x45: {  	_ =	shalt  }
0x46: {  	_ =	shalt  }
0x47: {  	_ =	shalt  }
0x48: {  	_ =	shalt  }
0x49: {  	_ =	shalt  }
0x4a: {  	_ =	shalt  }
0x4b: {  	_ =	shalt  }
0x4c: {  	_ =	shalt  }
0x4d: {  	_ =	shalt  }
0x4e: {  	_ =	shalt  }
0x4f: {  	_ =	shalt  }
0x50: {  	_ =	shalt  }
0x51: {  	_ =	shalt  }
0x52: {  	_ =	shalt  }
0x53: {  	_ =	shalt  }
0x54: {  	_ =	shalt  }
0x55: {  	_ =	shalt  }
0x56: {  	_ =	shalt  }
0x57: {  	_ =	shalt  }
0x58: {  	_ =	shalt  }
0x59: {  	_ =	shalt  }
0x5a: {  	_ =	shalt  }
0x5b: {  	_ =	shalt  }
0x5c: {  	_ =	shalt  }
0x5d: {  	_ =	shalt  }
0x5e: {  	_ =	shalt  }
0x5f: {  	_ =	shalt  }
0x60: {  	_ =	shalt  }
0x61: {  	_ =	shalt  }
0x62: {  	_ =	shalt  }
0x63: {  	_ =	shalt  }
0x64: {  	_ =	shalt  }
0x65: {  	_ =	shalt  }
0x66: {  	_ =	shalt  }
0x67: {  	_ =	shalt  }
0x68: {  	_ =	shalt  }
0x69: {  	_ =	shalt  }
0x6a: {  	_ =	shalt  }
0x6b: {  	_ =	shalt  }
0x6c: {  	_ =	shalt  }
0x6d: {  	_ =	shalt  }
0x6e: {  	_ =	shalt  }
0x6f: {  	_ =	shalt  }
0x70: {  	_ =	shalt  }
0x71: {  	_ =	shalt  }
0x72: {  	_ =	shalt  }
0x73: {  	_ =	shalt  }
0x74: {  	_ =	shalt  }
0x75: {  	_ =	shalt  }
0x76: {  	_ =	shalt  }
0x77: {  	_ =	shalt  }
0x78: {  	_ =	shalt  }
0x79: {  	_ =	shalt  }
0x7a: {  	_ =	shalt  }
0x7b: {  	_ =	shalt  }
0x7c: {  	_ =	shalt  }
0x7d: {  	_ =	shalt  }
0x7e: {  	_ =	shalt  }
0x7f: {  	_ =	shalt  }
0x80: {  	_ =	shalt  }
0x81: {  	_ =	shalt  }
0x82: {  	_ =	shalt  }
0x83: {  	_ =	shalt  }
0x84: {  	_ =	shalt  }
0x85: {  	_ =	shalt  }
0x86: {  	_ =	shalt  }
0x87: {  	_ =	shalt  }
.Lfunc_end0:
.L_simem_size_0:
called_computation_lowered:
.L_overlay_start_0:
0x88: {  	s0 =	sld [smem:$0x3FD9]  }
0x89: {  	s1 =	sld [smem:$0x3FFE];
	_ =	sdelay $0x3  }
0x8a: {  	s0 =	sadd.s32 s1, s0  }
0x8b: {  	[smem:$0x3FBE] =	sst s0  }
0x8c: {  	_ = 	snop  }
0x8d: {  	(tm) =	ssettm $0x1  }
0x8e: {  	s15 =	sld [smem:$0x3FFB];
	_ =	sdelay $0x3  }
0x8f: {  	_ =	strace s15  }
0x90: {  	s0 =	sld [smem:$0x3FFC];
	_ =	sdelay $0x3  }
0x91: {  	_ =	strace s0  }
0x92: {  	s0 =	sld [smem:$0x3FFD];
	_ =	sdelay $0x3  }
0x93: {  	_ =	strace s0  }
0x94: {  	_ =	strace $0x8FFFFFFF  }
0x95: {  	s16 =	sld [smem:$0x3FDB];
	_ =	sdelay $0x1  }
0x96: {  	s17 =	simm.s32 $_scs_section_size  }
0x97: {  	s2 =	simm.s32 $_size__tile_overlayer_lowered;
	s3 =	simm.s32 $_tile_overlayer_lowered  }
0x98: {  	s20 =	simm.s32 $0x1BFF;
	s19 =	sshll.u32 s3, $0x1;
	s0 =	sadd.s32 s17, s16  }
0x99: {  	s4 =	simm.s32 $0x0;
	s18 =	sshll.u32 s2, $0x1;
	s2 =	sadd.s32 s19, s0  }
0x9a: {  	[timem:s4], [sflag:s20] =	dma.local [hbm:s2], s18  }
0x9b: {  	_ =	swait.ge [sflag:s20], s18  }
0x9c: {  	s1 =	ssub.s32 $0x0, s18;
	[sflag:s20] =	ssyncset.done $0x0  }
0x9d: {  	[sflag:s20] =	ssyncadd.s32 s1;
	_ =	sdelay $0x1  }
0x9e: {  	s21 =	simm.s32 $0x1B8B  }
0x9f: {  	_ =	swait.ge [sflag:s21], $0x1  }
0xa0: {  	[sflag:s21] =	ssyncset.done $0x0  }
0xa1: {  	s23 =	simm.s32 $0x1B8E;
	s22 =	sld [smem:$0x3FFE];
	[sflag:s21] =	ssyncadd.s32 $0xFFFFFFFF  }
0xa2: {  	s24 =	simm.s32 $execute0_lowered;
	[smem:$0x3FD2] =	sst s23  }
0xa3: {  	s2 =	sshll.u32 s24, $0x1;
	_ =	strace $0x80000046;
	[dreg:$0x1] =	wrdreg $0xFFFFFFFF  }
0xa4: {  	s25 =	simm.s32 $_size_execute0_lowered;
	s0 =	sadd.s32 s0, s2;
	[dreg:$0x0] =	wrdreg $0x0  }
0xa5: {  	s2 =	sshll.u32 s25, $0x1;
	[dreg:$0x2] =	wrdreg s0  }
0xa6: {  	[dreg:$0x3] =	wrdreg s2  }
0xa7: {  	[dreg:$0x4] =	wrdreg $0xC0  }
0xa8: {  	_ =	task [dreg:s4], $0x5FFFF  }
0xa9: {  	[dreg:$0x1] =	wrdreg $0xFFFFFFFF  }
0xaa: {  	[dreg:$0x0] =	wrdreg $0x60  }
0xab: {  	[dreg:$0x2] =	wrdreg s22  }
0xac: {  	[dreg:$0x3] =	wrdreg $0x9  }
0xad: {  	_ =	task.clear_ibuf [dreg:s4], $0x4FFFF;
	_ =	strace $0x90000046  }
0xae: {  	s26 =	simm.s32 $0x9;
	_ =	strace $0x80000048  }
0xaf: {  	_ =	swait.ge [sflag:s26], $0x1  }
0xb0: {  	[sflag:s26] =	ssyncadd.s32 $0xFFFFFFFF  }
0xb1: {  	_ =	strace $0x90000048  }
0xb2: {  	_ =	sfence  }
0xb3: {  	s28 =	sld [smem:$0x0];
	_ =	sdelay $0x1  }
0xb4: {  	s29 =	srdreg.scid  }
0xb5: {  	s30 =	sshll.u32 s29, $0xD;
	s31 =	sshrl.u32 s29, $0x2  }
0xb6: {  	s1 =	sand.u32 $0x1, s29;
	s2 =	sand.u32 $0x4000, s30;
	s0 =	sadd.s32 s31, s28  }
0xb7: {  	s1 =	sor.u32 s2, s1;
	s0 =	sshll.u32 s0, $0x11  }
0xb8: {  	s0 =	sor.u32 s0, s1  }
0xb9: {  	s0 =	sadd.s32 $0x8F2B, s0  }
0xba: {  	[sflag:s0] =	ssyncadd.remote.s32 $0x1  }
0xbb: {  	_ =	sfence.sel $0xFFFF  }
0xbc: {  	[dreg:$0x0] =	wrdreg $0xFFFFFFFF;
	(pc) =	sbr.abs _section_cstart, $3  }
0xbd: {  	[dreg:$0x1] =	wrdreg $0xFFFFFFFF  }
0xbe: {  	_ =	task.clear_ibuf [dreg:s4], $0x2FFFF;
	_ =	strace $0x9FFFFFFF  }
0xbf: {  	(tm) =	ssettm $0x7FFFFFFF  }
tec
execute0_lowered:
.L_overlay_start_1:
0x0: {  	(tag) =	ssettag $0x1  }
0x1: {  	s8 =	rddreg [dreg:$0x0];
	_ =	strace $0x80000047;
	s11 =	simm.s32 $0x1  }
0x2: {  	v0 =	vimm.s32 $0x0;
	[sflag:s11] =	ssyncpa.u1 $0x0  }
0x3: {  	[tilespmem:$0x28] =	vst v0  }
0x4: {  	[tilespmem:$0x38] =	vst v0  }
0x5: {  	[tilespmem:$0x48] =	vst v0  }
0x6: {  	[tilespmem:$0x58] =	vst v0  }
0x7: {  	[tilespmem:$0x68] =	vst v0  }
0x8: {  	[tilespmem:$0x78] =	vst v0  }
0x9: {  	[tilespmem:$0x88] =	vst v0  }
0xa: {  	[tilespmem:$0x98] =	vst v0  }
0xb: {  	[tilespmem:$0xA8] =	vst v0  }
0xc: {  	[tilespmem:$0xB8] =	vst v0  }
0xd: {  	[tilespmem:$0xC8] =	vst v0  }
0xe: {  	[tilespmem:$0xD8] =	vst v0  }
0xf: {  	[tilespmem:$0xE8] =	vst v0  }
0x10: {  	[tilespmem:$0xF8] =	vst v0  }
0x11: {  	[tilespmem:$0x108] =	vst v0  }
0x12: {  	[tilespmem:$0x118] =	vst v0  }
0x13: {  	[tilespmem:$0x128] =	vst v0  }
0x14: {  	[tilespmem:$0x138] =	vst v0  }
0x15: {  	[tilespmem:$0x148] =	vst v0  }
0x16: {  	[tilespmem:$0x158] =	vst v0  }
0x17: {  	[tilespmem:$0x168] =	vst v0  }
0x18: {  	[tilespmem:$0x178] =	vst v0  }
0x19: {  	[tilespmem:$0x188] =	vst v0  }
0x1a: {  	[tilespmem:$0x198] =	vst v0  }
0x1b: {  	[tilespmem:$0x1A8] =	vst v0  }
0x1c: {  	[tilespmem:$0x1B8] =	vst v0  }
0x1d: {  	[tilespmem:$0x1C8] =	vst v0  }
0x1e: {  	[tilespmem:$0x1D8] =	vst v0  }
0x1f: {  	[tilespmem:$0x1E8] =	vst v0  }
0x20: {  	[tilespmem:$0x1F8] =	vst v0  }
0x21: {  	[tilespmem:$0x208] =	vst v0  }
0x22: {  	[tilespmem:$0x218] =	vst v0  }
0x23: {  	[tilespmem:$0x228] =	vst v0  }
0x24: {  	[tilespmem:$0x238] =	vst v0  }
0x25: {  	[tilespmem:$0x248] =	vst v0  }
0x26: {  	[tilespmem:$0x258] =	vst v0  }
0x27: {  	[tilespmem:$0x268] =	vst v0  }
0x28: {  	[tilespmem:$0x278] =	vst v0  }
0x29: {  	[tilespmem:$0x288] =	vst v0  }
0x2a: {  	[tilespmem:$0x298] =	vst v0  }
0x2b: {  	[tilespmem:$0x2A8] =	vst v0  }
0x2c: {  	[tilespmem:$0x2B8] =	vst v0  }
0x2d: {  	[tilespmem:$0x2C8] =	vst v0  }
0x2e: {  	[tilespmem:$0x2D8] =	vst v0  }
0x2f: {  	[tilespmem:$0x2E8] =	vst v0  }
0x30: {  	[tilespmem:$0x2F8] =	vst v0  }
0x31: {  	[tilespmem:$0x308] =	vst v0  }
0x32: {  	[tilespmem:$0x318] =	vst v0  }
0x33: {  	[tilespmem:$0x328] =	vst v0  }
0x34: {  	[tilespmem:$0x338] =	vst v0  }
0x35: {  	[tilespmem:$0x348] =	vst v0  }
0x36: {  	[tilespmem:$0x358] =	vst v0  }
0x37: {  	[tilespmem:$0x368] =	vst v0  }
0x38: {  	[tilespmem:$0x378] =	vst v0  }
0x39: {  	[tilespmem:$0x388] =	vst v0  }
0x3a: {  	[tilespmem:$0x398] =	vst v0  }
0x3b: {  	[tilespmem:$0x3A8] =	vst v0  }
0x3c: {  	[tilespmem:$0x3B8] =	vst v0  }
0x3d: {  	[tilespmem:$0x3C8] =	vst v0  }
0x3e: {  	[tilespmem:$0x3D8] =	vst v0  }
0x3f: {  	[tilespmem:$0x3E8] =	vst v0  }
0x40: {  	[tilespmem:$0x3F8] =	vst v0  }
0x41: {  	[tilespmem:$0x408] =	vst v0  }
0x42: {  	[tilespmem:$0x418] =	vst v0  }
0x43: {  	[tilespmem:$0x428] =	vst v0  }
0x44: {  	[tilespmem:$0x438] =	vst v0  }
0x45: {  	[tilespmem:$0x448] =	vst v0  }
0x46: {  	[tilespmem:$0x458] =	vst v0  }
0x47: {  	[tilespmem:$0x468] =	vst v0  }
0x48: {  	[tilespmem:$0x478] =	vst v0  }
0x49: {  	[tilespmem:$0x488] =	vst v0  }
0x4a: {  	[tilespmem:$0x498] =	vst v0  }
0x4b: {  	[tilespmem:$0x4A8] =	vst v0  }
0x4c: {  	[tilespmem:$0x4B8] =	vst v0  }
0x4d: {  	[tilespmem:$0x4C8] =	vst v0  }
0x4e: {  	[tilespmem:$0x4D8] =	vst v0  }
0x4f: {  	[tilespmem:$0x4E8] =	vst v0  }
0x50: {  	[tilespmem:$0x4F8] =	vst v0  }
0x51: {  	[tilespmem:$0x508] =	vst v0  }
0x52: {  	[tilespmem:$0x518] =	vst v0  }
0x53: {  	[tilespmem:$0x528] =	vst v0  }
0x54: {  	[tilespmem:$0x538] =	vst v0  }
0x55: {  	[tilespmem:$0x548] =	vst v0  }
0x56: {  	[tilespmem:$0x558] =	vst v0  }
0x57: {  	[tilespmem:$0x568] =	vst v0  }
0x58: {  	[tilespmem:$0x578] =	vst v0  }
0x59: {  	[tilespmem:$0x588] =	vst v0  }
0x5a: {  	[tilespmem:$0x598] =	vst v0  }
0x5b: {  	[tilespmem:$0x5A8] =	vst v0  }
0x5c: {  	[tilespmem:$0x5B8] =	vst v0  }
0x5d: {  	[tilespmem:$0x5C8] =	vst v0  }
0x5e: {  	[tilespmem:$0x5D8] =	vst v0  }
0x5f: {  	[tilespmem:$0x5E8] =	vst v0  }
0x60: {  	[tilespmem:$0x5F8] =	vst v0  }
0x61: {  	[tilespmem:$0x608] =	vst v0  }
0x62: {  	[tilespmem:$0x618] =	vst v0  }
0x63: {  	[tilespmem:$0x628] =	vst v0  }
0x64: {  	[tilespmem:$0x638] =	vst v0  }
0x65: {  	[tilespmem:$0x648] =	vst v0  }
0x66: {  	[tilespmem:$0x658] =	vst v0  }
0x67: {  	[tilespmem:$0x668] =	vst v0  }
0x68: {  	[tilespmem:$0x678] =	vst v0  }
0x69: {  	[tilespmem:$0x688] =	vst v0  }
0x6a: {  	[tilespmem:$0x698] =	vst v0  }
0x6b: {  	[tilespmem:$0x6A8] =	vst v0  }
0x6c: {  	[tilespmem:$0x6B8] =	vst v0  }
0x6d: {  	[tilespmem:$0x6C8] =	vst v0  }
0x6e: {  	[tilespmem:$0x6D8] =	vst v0  }
0x6f: {  	[tilespmem:$0x6E8] =	vst v0  }
0x70: {  	[tilespmem:$0x6F8] =	vst v0  }
0x71: {  	[tilespmem:$0x708] =	vst v0  }
0x72: {  	[tilespmem:$0x718] =	vst v0  }
0x73: {  	[tilespmem:$0x728] =	vst v0  }
0x74: {  	[tilespmem:$0x738] =	vst v0  }
0x75: {  	[tilespmem:$0x748] =	vst v0  }
0x76: {  	[tilespmem:$0x758] =	vst v0  }
0x77: {  	[tilespmem:$0x768] =	vst v0  }
0x78: {  	[tilespmem:$0x778] =	vst v0  }
0x79: {  	[tilespmem:$0x788] =	vst v0  }
0x7a: {  	[tilespmem:$0x798] =	vst v0  }
0x7b: {  	[tilespmem:$0x7A8] =	vst v0  }
0x7c: {  	[tilespmem:$0x7B8] =	vst v0  }
0x7d: {  	[tilespmem:$0x7C8] =	vst v0  }
0x7e: {  	[tilespmem:$0x7D8] =	vst v0  }
0x7f: {  	[tilespmem:$0x7E8] =	vst v0  }
0x80: {  	[tilespmem:$0x7F8] =	vst v0  }
0x81: {  	[tilespmem:$0x808] =	vst v0  }
0x82: {  	[tilespmem:$0x818] =	vst v0  }
0x83: {  	[tilespmem:$0x828] =	vst v0  }
0x84: {  	[tilespmem:$0x838] =	vst v0  }
0x85: {  	[tilespmem:$0x848] =	vst v0  }
0x86: {  	[tilespmem:$0x858] =	vst v0  }
0x87: {  	[tilespmem:$0x868] =	vst v0  }
0x88: {  	[tilespmem:$0x878] =	vst v0  }
0x89: {  	[tilespmem:$0x888] =	vst v0  }
0x8a: {  	[tilespmem:$0x898] =	vst v0  }
0x8b: {  	[tilespmem:$0x8A8] =	vst v0  }
0x8c: {  	[tilespmem:$0x8B8] =	vst v0  }
0x8d: {  	[tilespmem:$0x8C8] =	vst v0  }
0x8e: {  	[tilespmem:$0x8D8] =	vst v0  }
0x8f: {  	[tilespmem:$0x8E8] =	vst v0  }
0x90: {  	[tilespmem:$0x8F8] =	vst v0  }
0x91: {  	[tilespmem:$0x908] =	vst v0  }
0x92: {  	[tilespmem:$0x918] =	vst v0  }
0x93: {  	[tilespmem:$0x928] =	vst v0  }
0x94: {  	[tilespmem:$0x938] =	vst v0  }
0x95: {  	[tilespmem:$0x948] =	vst v0  }
0x96: {  	[tilespmem:$0x958] =	vst v0  }
0x97: {  	[tilespmem:$0x968] =	vst v0  }
0x98: {  	[tilespmem:$0x978] =	vst v0  }
0x99: {  	[tilespmem:$0x988] =	vst v0  }
0x9a: {  	[tilespmem:$0x998] =	vst v0  }
0x9b: {  	[tilespmem:$0x9A8] =	vst v0  }
0x9c: {  	[tilespmem:$0x9B8] =	vst v0  }
0x9d: {  	[tilespmem:$0x9C8] =	vst v0  }
0x9e: {  	[tilespmem:$0x9D8] =	vst v0  }
0x9f: {  	[tilespmem:$0x9E8] =	vst v0  }
0xa0: {  	[tilespmem:$0x9F8] =	vst v0  }
0xa1: {  	[tilespmem:$0xA08] =	vst v0  }
0xa2: {  	[tilespmem:$0xA18] =	vst v0  }
0xa3: {  	[tilespmem:$0xA28] =	vst v0  }
0xa4: {  	[tilespmem:$0xA38] =	vst v0  }
0xa5: {  	[tilespmem:$0xA48] =	vst v0  }
0xa6: {  	[tilespmem:$0xA58] =	vst v0  }
0xa7: {  	[tilespmem:$0xA68] =	vst v0  }
0xa8: {  	[tilespmem:$0xA78] =	vst v0  }
0xa9: {  	[tilespmem:$0xA88] =	vst v0  }
0xaa: {  	[tilespmem:$0xA98] =	vst v0  }
0xab: {  	[tilespmem:$0xAA8] =	vst v0  }
0xac: {  	[tilespmem:$0xAB8] =	vst v0  }
0xad: {  	[tilespmem:$0xAC8] =	vst v0  }
0xae: {  	[tilespmem:$0xAD8] =	vst v0  }
0xaf: {  	[tilespmem:$0xAE8] =	vst v0  }
0xb0: {  	[tilespmem:$0xAF8] =	vst v0  }
0xb1: {  	[tilespmem:$0xB08] =	vst v0  }
0xb2: {  	[tilespmem:$0xB18] =	vst v0  }
0xb3: {  	[tilespmem:$0xB28] =	vst v0  }
0xb4: {  	[tilespmem:$0xB38] =	vst v0  }
0xb5: {  	[tilespmem:$0xB48] =	vst v0  }
0xb6: {  	[tilespmem:$0xB58] =	vst v0  }
0xb7: {  	[tilespmem:$0xB68] =	vst v0  }
0xb8: {  	[tilespmem:$0xB78] =	vst v0  }
0xb9: {  	[tilespmem:$0xB88] =	vst v0  }
0xba: {  	[tilespmem:$0xB98] =	vst v0  }
0xbb: {  	[tilespmem:$0xBA8] =	vst v0  }
0xbc: {  	[tilespmem:$0xBB8] =	vst v0  }
0xbd: {  	[tilespmem:$0xBC8] =	vst v0  }
0xbe: {  	[tilespmem:$0xBD8] =	vst v0  }
0xbf: {  	[tilespmem:$0xBE8] =	vst v0  }
0xc0: {  	[tilespmem:$0xBF8] =	vst v0  }
0xc1: {  	[tilespmem:$0xC08] =	vst v0  }
0xc2: {  	[tilespmem:$0xC18] =	vst v0  }
0xc3: {  	[tilespmem:$0xC28] =	vst v0  }
0xc4: {  	[tilespmem:$0xC38] =	vst v0  }
0xc5: {  	[tilespmem:$0xC48] =	vst v0  }
0xc6: {  	[tilespmem:$0xC58] =	vst v0  }
0xc7: {  	[tilespmem:$0xC68] =	vst v0  }
0xc8: {  	[tilespmem:$0xC78] =	vst v0  }
0xc9: {  	[tilespmem:$0xC88] =	vst v0  }
0xca: {  	[tilespmem:$0xC98] =	vst v0  }
0xcb: {  	[tilespmem:$0xCA8] =	vst v0  }
0xcc: {  	[tilespmem:$0xCB8] =	vst v0  }
0xcd: {  	[tilespmem:$0xCC8] =	vst v0  }
0xce: {  	[tilespmem:$0xCD8] =	vst v0  }
0xcf: {  	[tilespmem:$0xCE8] =	vst v0  }
0xd0: {  	[tilespmem:$0xCF8] =	vst v0  }
0xd1: {  	[tilespmem:$0xD08] =	vst v0  }
0xd2: {  	[tilespmem:$0xD18] =	vst v0  }
0xd3: {  	[tilespmem:$0xD28] =	vst v0  }
0xd4: {  	[tilespmem:$0xD38] =	vst v0  }
0xd5: {  	[tilespmem:$0xD48] =	vst v0  }
0xd6: {  	[tilespmem:$0xD58] =	vst v0  }
0xd7: {  	[tilespmem:$0xD68] =	vst v0  }
0xd8: {  	[tilespmem:$0xD78] =	vst v0  }
0xd9: {  	[tilespmem:$0xD88] =	vst v0  }
0xda: {  	[tilespmem:$0xD98] =	vst v0  }
0xdb: {  	[tilespmem:$0xDA8] =	vst v0  }
0xdc: {  	[tilespmem:$0xDB8] =	vst v0  }
0xdd: {  	[tilespmem:$0xDC8] =	vst v0  }
0xde: {  	[tilespmem:$0xDD8] =	vst v0  }
0xdf: {  	[tilespmem:$0xDE8] =	vst v0  }
0xe0: {  	[tilespmem:$0xDF8] =	vst v0  }
0xe1: {  	[tilespmem:$0xE08] =	vst v0  }
0xe2: {  	[tilespmem:$0xE18] =	vst v0  }
0xe3: {  	[tilespmem:$0xE28] =	vst v0  }
0xe4: {  	[tilespmem:$0xE38] =	vst v0  }
0xe5: {  	[tilespmem:$0xE48] =	vst v0  }
0xe6: {  	[tilespmem:$0xE58] =	vst v0  }
0xe7: {  	[tilespmem:$0xE68] =	vst v0  }
0xe8: {  	[tilespmem:$0xE78] =	vst v0  }
0xe9: {  	[tilespmem:$0xE88] =	vst v0  }
0xea: {  	[tilespmem:$0xE98] =	vst v0  }
0xeb: {  	[tilespmem:$0xEA8] =	vst v0  }
0xec: {  	[tilespmem:$0xEB8] =	vst v0  }
0xed: {  	[tilespmem:$0xEC8] =	vst v0  }
0xee: {  	[tilespmem:$0xED8] =	vst v0  }
0xef: {  	[tilespmem:$0xEE8] =	vst v0  }
0xf0: {  	[tilespmem:$0xEF8] =	vst v0  }
0xf1: {  	[tilespmem:$0xF08] =	vst v0  }
0xf2: {  	[tilespmem:$0xF18] =	vst v0  }
0xf3: {  	[tilespmem:$0xF28] =	vst v0  }
0xf4: {  	[tilespmem:$0xF38] =	vst v0  }
0xf5: {  	[tilespmem:$0xF48] =	vst v0  }
0xf6: {  	[tilespmem:$0xF58] =	vst v0  }
0xf7: {  	[tilespmem:$0xF68] =	vst v0  }
0xf8: {  	[tilespmem:$0xF78] =	vst v0  }
0xf9: {  	[tilespmem:$0xF88] =	vst v0  }
0xfa: {  	[tilespmem:$0xF98] =	vst v0  }
0xfb: {  	[tilespmem:$0xFA8] =	vst v0  }
0xfc: {  	[tilespmem:$0xFB8] =	vst v0  }
0xfd: {  	[tilespmem:$0xFC8] =	vst v0  }
0xfe: {  	[tilespmem:$0xFD8] =	vst v0  }
0xff: {  	[tilespmem:$0xFE8] =	vst v0  }
0x100: {  	[tilespmem:$0xFF8] =	vst v0  }
0x101: {  	[tilespmem:$0x1018] =	vst v0  }
0x102: {  	[tilespmem:$0x10D8] =	vst v0  }
0x103: {  	[tilespmem:$0x1B28] =	vst v0  }
0x104: {  	[tilespmem:$0x1B18] =	vst v0  }
0x105: {  	[tilespmem:$0x1B08] =	vst v0  }
0x106: {  	[tilespmem:$0x1AF8] =	vst v0  }
0x107: {  	[tilespmem:$0x1AE8] =	vst v0  }
0x108: {  	[tilespmem:$0x1AD8] =	vst v0  }
0x109: {  	[tilespmem:$0x1AC8] =	vst v0  }
0x10a: {  	[tilespmem:$0x1AB8] =	vst v0  }
0x10b: {  	[tilespmem:$0x1AA8] =	vst v0  }
0x10c: {  	[tilespmem:$0x1A98] =	vst v0  }
0x10d: {  	[tilespmem:$0x1A88] =	vst v0  }
0x10e: {  	[tilespmem:$0x1A78] =	vst v0  }
0x10f: {  	[tilespmem:$0x1A68] =	vst v0  }
0x110: {  	[tilespmem:$0x1A58] =	vst v0  }
0x111: {  	[tilespmem:$0x1A48] =	vst v0  }
0x112: {  	[tilespmem:$0x1A38] =	vst v0  }
0x113: {  	[tilespmem:$0x1A28] =	vst v0  }
0x114: {  	[tilespmem:$0x1A18] =	vst v0  }
0x115: {  	[tilespmem:$0x1A08] =	vst v0  }
0x116: {  	[tilespmem:$0x19F8] =	vst v0  }
0x117: {  	[tilespmem:$0x19E8] =	vst v0  }
0x118: {  	[tilespmem:$0x19D8] =	vst v0  }
0x119: {  	[tilespmem:$0x19C8] =	vst v0  }
0x11a: {  	[tilespmem:$0x19B8] =	vst v0  }
0x11b: {  	[tilespmem:$0x19A8] =	vst v0  }
0x11c: {  	[tilespmem:$0x1998] =	vst v0  }
0x11d: {  	[tilespmem:$0x1988] =	vst v0  }
0x11e: {  	[tilespmem:$0x1978] =	vst v0  }
0x11f: {  	[tilespmem:$0x1968] =	vst v0  }
0x120: {  	[tilespmem:$0x1958] =	vst v0  }
0x121: {  	[tilespmem:$0x1948] =	vst v0  }
0x122: {  	[tilespmem:$0x1938] =	vst v0  }
0x123: {  	[tilespmem:$0x1928] =	vst v0  }
0x124: {  	[tilespmem:$0x1918] =	vst v0  }
0x125: {  	[tilespmem:$0x1908] =	vst v0  }
0x126: {  	[tilespmem:$0x18F8] =	vst v0  }
0x127: {  	[tilespmem:$0x18E8] =	vst v0  }
0x128: {  	[tilespmem:$0x18D8] =	vst v0  }
0x129: {  	[tilespmem:$0x18C8] =	vst v0  }
0x12a: {  	[tilespmem:$0x18B8] =	vst v0  }
0x12b: {  	[tilespmem:$0x18A8] =	vst v0  }
0x12c: {  	[tilespmem:$0x1898] =	vst v0  }
0x12d: {  	[tilespmem:$0x1888] =	vst v0  }
0x12e: {  	[tilespmem:$0x1878] =	vst v0  }
0x12f: {  	[tilespmem:$0x1868] =	vst v0  }
0x130: {  	[tilespmem:$0x1858] =	vst v0  }
0x131: {  	[tilespmem:$0x1848] =	vst v0  }
0x132: {  	[tilespmem:$0x1838] =	vst v0  }
0x133: {  	[tilespmem:$0x1828] =	vst v0  }
0x134: {  	[tilespmem:$0x1818] =	vst v0  }
0x135: {  	[tilespmem:$0x1808] =	vst v0  }
0x136: {  	[tilespmem:$0x17F8] =	vst v0  }
0x137: {  	[tilespmem:$0x17E8] =	vst v0  }
0x138: {  	[tilespmem:$0x17D8] =	vst v0  }
0x139: {  	[tilespmem:$0x17C8] =	vst v0  }
0x13a: {  	[tilespmem:$0x17B8] =	vst v0  }
0x13b: {  	[tilespmem:$0x17A8] =	vst v0  }
0x13c: {  	[tilespmem:$0x1798] =	vst v0  }
0x13d: {  	[tilespmem:$0x1788] =	vst v0  }
0x13e: {  	[tilespmem:$0x1778] =	vst v0  }
0x13f: {  	[tilespmem:$0x1768] =	vst v0  }
0x140: {  	[tilespmem:$0x1758] =	vst v0  }
0x141: {  	[tilespmem:$0x1748] =	vst v0  }
0x142: {  	[tilespmem:$0x1738] =	vst v0  }
0x143: {  	[tilespmem:$0x1728] =	vst v0  }
0x144: {  	[tilespmem:$0x1718] =	vst v0  }
0x145: {  	[tilespmem:$0x1708] =	vst v0  }
0x146: {  	[tilespmem:$0x16F8] =	vst v0  }
0x147: {  	[tilespmem:$0x16E8] =	vst v0  }
0x148: {  	[tilespmem:$0x16D8] =	vst v0  }
0x149: {  	[tilespmem:$0x16C8] =	vst v0  }
0x14a: {  	[tilespmem:$0x16B8] =	vst v0  }
0x14b: {  	[tilespmem:$0x16A8] =	vst v0  }
0x14c: {  	[tilespmem:$0x1698] =	vst v0  }
0x14d: {  	[tilespmem:$0x1688] =	vst v0  }
0x14e: {  	[tilespmem:$0x1678] =	vst v0  }
0x14f: {  	[tilespmem:$0x1668] =	vst v0  }
0x150: {  	[tilespmem:$0x1658] =	vst v0  }
0x151: {  	[tilespmem:$0x1648] =	vst v0  }
0x152: {  	[tilespmem:$0x1638] =	vst v0  }
0x153: {  	[tilespmem:$0x1628] =	vst v0  }
0x154: {  	[tilespmem:$0x1618] =	vst v0  }
0x155: {  	[tilespmem:$0x1608] =	vst v0  }
0x156: {  	[tilespmem:$0x15F8] =	vst v0  }
0x157: {  	[tilespmem:$0x15E8] =	vst v0  }
0x158: {  	[tilespmem:$0x15D8] =	vst v0  }
0x159: {  	[tilespmem:$0x15C8] =	vst v0  }
0x15a: {  	[tilespmem:$0x15B8] =	vst v0  }
0x15b: {  	[tilespmem:$0x15A8] =	vst v0  }
0x15c: {  	[tilespmem:$0x1598] =	vst v0  }
0x15d: {  	[tilespmem:$0x1588] =	vst v0  }
0x15e: {  	[tilespmem:$0x1578] =	vst v0  }
0x15f: {  	[tilespmem:$0x1568] =	vst v0  }
0x160: {  	[tilespmem:$0x1558] =	vst v0  }
0x161: {  	[tilespmem:$0x1548] =	vst v0  }
0x162: {  	[tilespmem:$0x1538] =	vst v0  }
0x163: {  	[tilespmem:$0x1528] =	vst v0  }
0x164: {  	[tilespmem:$0x1518] =	vst v0  }
0x165: {  	[tilespmem:$0x1508] =	vst v0  }
0x166: {  	[tilespmem:$0x14F8] =	vst v0  }
0x167: {  	[tilespmem:$0x14E8] =	vst v0  }
0x168: {  	[tilespmem:$0x14D8] =	vst v0  }
0x169: {  	[tilespmem:$0x14C8] =	vst v0  }
0x16a: {  	[tilespmem:$0x14B8] =	vst v0  }
0x16b: {  	[tilespmem:$0x14A8] =	vst v0  }
0x16c: {  	[tilespmem:$0x1498] =	vst v0  }
0x16d: {  	[tilespmem:$0x1488] =	vst v0  }
0x16e: {  	[tilespmem:$0x1478] =	vst v0  }
0x16f: {  	[tilespmem:$0x1468] =	vst v0  }
0x170: {  	[tilespmem:$0x1458] =	vst v0  }
0x171: {  	[tilespmem:$0x1448] =	vst v0  }
0x172: {  	[tilespmem:$0x1438] =	vst v0  }
0x173: {  	[tilespmem:$0x1428] =	vst v0  }
0x174: {  	[tilespmem:$0x1418] =	vst v0  }
0x175: {  	[tilespmem:$0x1408] =	vst v0  }
0x176: {  	[tilespmem:$0x13F8] =	vst v0  }
0x177: {  	[tilespmem:$0x13E8] =	vst v0  }
0x178: {  	[tilespmem:$0x13D8] =	vst v0  }
0x179: {  	[tilespmem:$0x13C8] =	vst v0  }
0x17a: {  	[tilespmem:$0x13B8] =	vst v0  }
0x17b: {  	[tilespmem:$0x13A8] =	vst v0  }
0x17c: {  	[tilespmem:$0x1398] =	vst v0  }
0x17d: {  	[tilespmem:$0x1388] =	vst v0  }
0x17e: {  	[tilespmem:$0x1378] =	vst v0  }
0x17f: {  	[tilespmem:$0x1368] =	vst v0  }
0x180: {  	[tilespmem:$0x1358] =	vst v0  }
0x181: {  	[tilespmem:$0x1348] =	vst v0  }
0x182: {  	[tilespmem:$0x1338] =	vst v0  }
0x183: {  	[tilespmem:$0x1328] =	vst v0  }
0x184: {  	[tilespmem:$0x1318] =	vst v0  }
0x185: {  	[tilespmem:$0x1308] =	vst v0  }
0x186: {  	[tilespmem:$0x12F8] =	vst v0  }
0x187: {  	[tilespmem:$0x12E8] =	vst v0  }
0x188: {  	[tilespmem:$0x12D8] =	vst v0  }
0x189: {  	[tilespmem:$0x12C8] =	vst v0  }
0x18a: {  	[tilespmem:$0x12B8] =	vst v0  }
0x18b: {  	[tilespmem:$0x12A8] =	vst v0  }
0x18c: {  	[tilespmem:$0x1298] =	vst v0  }
0x18d: {  	[tilespmem:$0x1288] =	vst v0  }
0x18e: {  	[tilespmem:$0x1278] =	vst v0  }
0x18f: {  	[tilespmem:$0x1268] =	vst v0  }
0x190: {  	[tilespmem:$0x1258] =	vst v0  }
0x191: {  	[tilespmem:$0x1248] =	vst v0  }
0x192: {  	[tilespmem:$0x1238] =	vst v0  }
0x193: {  	[tilespmem:$0x1228] =	vst v0  }
0x194: {  	[tilespmem:$0x1218] =	vst v0  }
0x195: {  	[tilespmem:$0x1208] =	vst v0  }
0x196: {  	[tilespmem:$0x11F8] =	vst v0  }
0x197: {  	[tilespmem:$0x11E8] =	vst v0  }
0x198: {  	[tilespmem:$0x11D8] =	vst v0  }
0x199: {  	[tilespmem:$0x11C8] =	vst v0  }
0x19a: {  	[tilespmem:$0x11B8] =	vst v0  }
0x19b: {  	[tilespmem:$0x11A8] =	vst v0  }
0x19c: {  	[tilespmem:$0x1198] =	vst v0  }
0x19d: {  	[tilespmem:$0x1188] =	vst v0  }
0x19e: {  	[tilespmem:$0x1178] =	vst v0  }
0x19f: {  	[tilespmem:$0x1168] =	vst v0  }
0x1a0: {  	[tilespmem:$0x1158] =	vst v0  }
0x1a1: {  	[tilespmem:$0x1148] =	vst v0  }
0x1a2: {  	[tilespmem:$0x1138] =	vst v0  }
0x1a3: {  	[tilespmem:$0x1128] =	vst v0  }
0x1a4: {  	[tilespmem:$0x1118] =	vst v0  }
0x1a5: {  	s2 =	stileid.u32;
	[tilespmem:$0x1108] =	vst v0  }
0x1a6: {  	s0 =	smul.u32 $0x18, s2;
	[tilespmem:$0x10F8] =	vst v0  }
0x1a7: {  	s1 =	smin.u32 s2, $0xA;
	[tilespmem:$0x10E8] =	vst v0  }
0x1a8: {  	[tilespmem:$0x10B8] =	vst v0;
	s0 =	sadd.s32 s1, s0  }
0x1a9: {  	p0 =	slt.u32 s2, $0xA;
	[tilespmem:$0x10C8] =	vst v0;
	s1 =	simm.s32 $0x2A30;
	s3 =	smul.u32 $0x1B0, s0  }
0x1aa: {  	s1 =	simm.s32 @!p0 $0x2880;
	[tilespmem:$0x10A8] =	vst v0  }
0x1ab: {  	[tilespmem:$0x1038] =	vst v0;
	s0 =	sadd.s32 s1, s3  }
0x1ac: {  	[tilespmem:$0x1098] =	vst v0;
	s4 =	smin.u32 s0, $0x29810  }
0x1ad: {  	[tilespmem:$0x1088] =	vst v0;
	s0 =	ssub.s32 s4, s3  }
0x1ae: {  	s5 =	simm.s32 $0x2;
	s29 =	simm.s32 $0x7;
	[tilespmem:$0x1078] =	vst v0;
	p0 =	sgt.s32 s0, $0x0  }
0x1af: {  	s13 =	simm.s32 $0x8;
	s30 =	simm.s32 $0x9;
	[tilespmem:$0x1068] =	vst v0;
	s0 =	simm.s32 @!p0 $0x0  }
0x1b0: {  	p4 =	por $0x0, $0x0;
	s14 =	simm.s32 $0xA;
	[tilespmem:$0x1058] =	vst v0;
	s6 =	smulhi.u32 $0x4BDA12F7, s0  }
0x1b1: {  	s18 =	simm.s32 $0x0;
	s15 =	simm.s32 $0x0;
	s17 =	simm.s32 $0x0;
	[tilespmem:$0x1048] =	vst v0  }
0x1b2: {  	s7 =	sadd.s32 $0x156A000, s8;
	s31 =	sshll.u32 s2, $0x5;
	[tilespmem:$0x1028] =	vst v0;
	s12 =	sshrl.u32 s6, $0x7  }
0x1b3: {  	[tilespmem:$0x1008] =	vst v0;
	[sflag:s5] =	ssyncpa.u1 $0x0;
	v0 =	vimm.s32 $0xFFFFFFFF;
	s5 =	sadd.s32 $0x8000, s8;
	s10 =	smul.u32 $0x1B0, s12  }
.Ltmp0:
0x1b4: {  	[dreg:$0x2] =	wrdreg s31;
	[tilespmem:$0x3648] =	vst v0;
	[sflag:s29] =	ssyncpa.u1 $0x0;
	(pc) =	sbr.rel .LBB2_1-.Ltmp0, $4  }
0x1b5: {  	[sflag:s13] =	ssyncpa.u1 $0x0;
	s13 =	simm.s32 $0x0;
	p0 =	sne.s32 s0, s10  }
0x1b6: {  	[sflag:s30] =	ssyncpa.u1 $0x0;
	s1 =	sadd.s32 $0xD400, s8;
	s11 =	simm.s32 @!p0 $0x0  }
0x1b7: {  	s16 =	smov.u32 s3;
	[dreg:$0x3] =	wrdreg s3;
	s11 =	sadd.s32 s11, s12  }
0x1b8: {  	v0 =	vlaneseq.u32;
	s6 =	sadd.s32 $0x2C00, s8;
	p0 =	por $0x1, $0x1;
	s8 =	sadd.s32 $0x1, s11  }
.LBB2_18:
0x1b9: {  	s0 =	simm.s32 $0x2  }
0x1ba: {  	_ =	swait.ge [sflag:s0], $0x0  }
0x1bb: {  	[sflag:s0] =	ssyncset.done $0x0;
	s0 =	simm.s32 $0x0  }
.LBB2_19:
0x1bc: {  	_ =	swait.ge [sflag:s14], s0  }
0x1bd: {  	s31 =	ssub.s32 $0x0, s0;
	v1 =	vmov s20;
	vm0 =	veq.s32 v0, $0x0;
	[sflag:s14] =	ssyncset.done $0x0  }
0x1be: {  	vm15 =	veq.s32 v0, $0x2;
	v1 =	vsel vm0, s24, v1;
	[sflag:s14] =	ssyncadd.s32 s31  }
0x1bf: {  	v1 =	vsel vm15, s18, v1;
	[sflag:s14] =	ssyncpa.u1 $0x1  }
0x1c0: {  	[tilespmem:$0x3648] =	vst v1  }
.LBB2_20:
0x1c1: {  	s0 =	sadd.s32 $0x1B0, s16  }
0x1c2: {  	s2 =	smov.u32 s3;
	p1 =	slt.s32 s0, s4  }
0x1c3: {  	s2 =	smov.u32 @p1 s0;
	p1 =	sne.s32 s17, s8  }
.Ltmp1:
0x1c4: {  	_ = 	snop;
	(pc) =	sbr.rel @!p1 .LBB2_21-.Ltmp1, $4  }
0x1c5: {  	_ = 	snop  }
0x1c6: {  	s18 =	smov.u32 s15  }
0x1c7: {  	s31 =	sadd.s32 $0x1, s17;
	s15 =	smov.u32 s16;
	p0 =	por !p0, !p0  }
0x1c8: {  	p4 =	por !p4, !p4;
	s17 =	smov.u32 s31;
	s16 =	smov.u32 s2  }
.LBB2_1:
0x1c9: {  	p2 =	sge.u32 s17, s11  }
0x1ca: {  	s0 =	smulhi.u32 @!p2 $0xAAAAAAAB, s17  }
0x1cb: {  	s19 =	smov.u32 s16;
	p3 =	sgt.s32 @!p2 s16, $0x29660  }
0x1cc: {  	s20 =	sshra.s32 @!p2 s16, $0x1F;
	p3 =	por !p3, p2;
	s0 =	sshrl.u32 @!p2 s0, $0x1  }
0x1cd: {  	s20 =	sand.u32 @!p2 s20, s16;
	s19 =	simm.s32 @p3 $0x29660;
	s0 =	smul.u32 @!p2 $0x3, s0  }
0x1ce: {  	s19 =	ssub.s32 @!p2 s19, s20  }
0x1cf: {  	s19 =	sadd.s32 @!p2 $0xFFFD69A0, s19;
	s0 =	ssub.s32 @!p2 s17, s0  }
0x1d0: {  	s20 =	sshll.u32 @!p2 s19, $0x2;
	p3 =	sgt.s32 @!p2 s19, $0x1AF;
	s0 =	smul.u32 @!p2 $0x6C0, s0  }
0x1d1: {  	s21 =	sand.u32 @!p2 $0x7, s16;
	s19 =	ssub.s32 @!p2 $0x6C0, s20;
	p3 =	por !p3, p2  }
0x1d2: {  	s20 =	sshrl.u32 @!p2 s16, $0x3;
	s19 =	sshrl.u32 @!p2 s19, $0x2;
	s0 =	sshrl.u32 @!p2 s0, $0x2  }
0x1d3: {  	s20 =	sadd.s32 @!p2 s5, s20;
	s19 =	simm.s32 @!p3 $0x0;
	s0 =	sadd.s32 @!p2 $0x3878, s0  }
0x1d4: {  	[tilespmem:s0], [sflag:$0x8] =	stream.linear.gather @!p2 [hbm4b:s20+s21], s19, $0x38;
	[tilespmem:$0x1F0E8] =	vst v63  }
0x1d5: {  	s20 =	sadd.s32 $0xFFFFFFFF, s17  }
0x1d6: {  	p2 =	sge.u32 s20, s11  }
0x1d7: {  	p3 =	sgt.s32 @!p2 s15, $0x29660  }
0x1d8: {  	s0 =	smov.u32 s15;
	s19 =	sshra.s32 @!p2 s15, $0x1F;
	p3 =	por !p3, p2  }
0x1d9: {  	s19 =	sand.u32 @!p2 s19, s15;
	s0 =	simm.s32 @p3 $0x29660  }
0x1da: {  	s0 =	ssub.s32 @!p2 s0, s19  }
0x1db: {  	s0 =	sadd.s32 @!p2 $0xFFFD69A0, s0  }
0x1dc: {  	s19 =	sshll.u32 @!p2 s0, $0x2  }
0x1dd: {  	p3 =	sgt.s32 @!p2 s0, $0x1AF;
	s0 =	ssub.s32 @!p2 $0x6C0, s19  }
0x1de: {  	p3 =	por !p3, p2;
	s0 =	sshrl.u32 @!p2 s0, $0x2  }
0x1df: {  	s21 =	simm.s32 @!p2 $0x8;
	s19 =	sand.u32 @!p2 $0x1, s20;
	s0 =	simm.s32 @!p3 $0x0  }
0x1e0: {  	s19 =	smul.u32 @!p2 $0x6C0, s19;
	_ =	swait.ge @!p2 [sflag:s21], s0  }
0x1e1: {  	s22 =	ssub.s32 @!p2 $0x0, s0;
	[sflag:s21] =	ssyncset.done @!p2 $0x0  }
0x1e2: {  	s19 =	sshrl.u32 @!p2 s19, $0x2;
	[sflag:s21] =	ssyncadd.s32 @!p2 s22;
	s21 =	sshrl.u32 @!p2 s15, $0x3  }
0x1e3: {  	s19 =	sadd.s32 @!p2 $0x3D88, s19;
	s22 =	sand.u32 @!p2 $0x7, s15;
	s21 =	sadd.s32 @!p2 s6, s21  }
0x1e4: {  	[tilespmem:s19], [sflag:$0x9] =	stream.linear.gather @!p2 [hbm4b:s21+s22], s0, $0x38;
	[tilespmem:$0x1F0E8] =	vst v63  }
0x1e5: {  	s19 =	ssub.s32 @!p2 $0x29810, s15  }
0x1e6: {  	p3 =	slt.s32 @!p2 s19, $0x1  }
0x1e7: {  	p3 =	por p2, p3  }
.Ltmp2:
0x1e8: {  	_ = 	snop;
	(pc) =	sbr.rel @p3 .LBB2_7-.Ltmp2, $1  }
0x1e9: {  	_ =	sdelay $0x3  }
0x1ea: {  	s0 =	smulhi.u32 $0xAAAAAAAB, s20;
	_ =	sdelay $0x1  }
0x1eb: {  	s0 =	sshrl.u32 s0, $0x1  }
0x1ec: {  	s0 =	smul.u32 $0x3, s0;
	_ =	sdelay $0x1  }
0x1ed: {  	s0 =	ssub.s32 s20, s0  }
0x1ee: {  	s21 =	simm.s32 $0x1;
	s0 =	smul.u32 $0x6C0, s0  }
.Ltmp3:
0x1ef: {  	s21 =	simm.s32 @!p0 $0x0;
	(pc) =	sbr.rel .LBB2_4-.Ltmp3, $4  }
0x1f0: {  	s31 =	smul.u32 $0x36000, s21  }
0x1f1: {  	p3 =	slt.s32 @!p2 s19, $0x1B0;
	s0 =	sshrl.u32 s0, $0x2  }
0x1f2: {  	p2 =	por !p3, p2;
	s20 =	sshrl.u32 s31, $0x2;
	s0 =	sadd.s32 $0x3878, s0  }
0x1f3: {  	s19 =	simm.s32 @p2 $0x1B0;
	s21 =	simm.s32 $0x0;
	s20 =	sadd.s32 $0x40E8, s20;
	v1 =	vmov s0  }
.LBB2_3:
0x1f4: {  	p2 =	sge.s32 s21, s19  }
.Ltmp4:
0x1f5: {  	_ = 	snop;
	(pc) =	sbr.rel @p2 .LBB2_7-.Ltmp4, $2  }
0x1f6: {  	_ =	sdelay $0x2  }
0x1f7: {  	s20 =	sadd.s32 $0x800, s20  }
.LBB2_4:
0x1f8: {  	p2 =	sle.s32 s19, s21  }
.Ltmp5:
0x1f9: {  	_ = 	snop;
	(pc) =	sbr.rel @p2 .LBB2_3-.Ltmp5, $2  }
0x1fa: {  	_ =	sdelay $0x2  }
0x1fb: {  	s22 =	smov.u32 s21;
	s21 =	sadd.s32 $0x10, s21  }
0x1fc: {  	s0 =	ssub.s32 s19, s22  }
0x1fd: {  	p2 =	slt.s32 s0, $0x10  }
0x1fe: {  	s0 =	simm.s32 @!p2 $0x10  }
0x1ff: {  	v2 =	vmov s0  }
0x200: {  	vm0 =	vgt.s32 v2, v0;
	_ =	sdelay $0x5  }
0x201: {  	v2 =	vld.idx.msk [tilespmem:v1+s22+$0x0 ss:$0x1], vm0;
	_ =	sdelay $0x2  }
0x202: {  	s23 =	smov.u32 s19;
	p2 =	slt.s32 s21, s19  }
0x203: {  	s24 =	smov.u32 s20;
	s25 =	simm.s32 $0x0;
	s23 =	smov.u32 @p2 s21  }
.LBB2_6:
0x204: {  	(v2sf) =	vpush v2, s25;
	_ =	sdelay $0xc  }
0x205: {  	s25 =	sadd.s32 $0x1, s25  }
0x206: {  	s31 =	sadd.s32 s25, s22  }
0x207: {  	p2 =	slt.s32 s31, s23;
	s0 =	spop (v2sf)  }
.Ltmp6:
0x208: {  	s0 =	sshll.u32 s0, $0x4;
	(pc) =	sbr.rel @p2 .LBB2_6-.Ltmp6, $4  }
0x209: {  	s0 =	sand.u32 $0x1FFFFFF0, s0  }
0x20a: {  	s0 =	sadd.s32 s7, s0  }
0x20b: {  	[tilespmem:s24], [sflag:$0x7] =	stream.linear.gather [hbm4b:s0+s13], $0x4, $0x38;
	[tilespmem:$0x1F0E8] =	vst v63  }
0x20c: {  	s24 =	sadd.s32 $0x80, s24  }
.Ltmp7:
0x20d: {  	_ = 	snop;
	(pc) =	sbr.rel .LBB2_3-.Ltmp7, $1  }
0x20e: {  	_ =	sdelay $0x3  }
.LBB2_7:
0x20f: {  	p2 =	slt.u32 s17, $0x2  }
.Ltmp8:
0x210: {  	_ = 	snop;
	(pc) =	sbr.rel @p2 .LBB2_20-.Ltmp8, $1  }
0x211: {  	_ =	sdelay $0x3  }
0x212: {  	p2 =	sgt.s32 s18, $0x29660;
	s0 =	smov.u32 s18  }
0x213: {  	s19 =	sshra.s32 s18, $0x1F;
	s20 =	ssub.s32 $0x29810, s18;
	s0 =	simm.s32 @!p2 $0x29660  }
0x214: {  	s19 =	sand.u32 s19, s18;
	p2 =	slt.s32 s20, $0x1B0;
	s21 =	smov.u32 s20  }
0x215: {  	s0 =	ssub.s32 s0, s19;
	s21 =	simm.s32 @!p2 $0x1B0  }
0x216: {  	s0 =	sadd.s32 $0xFFFD69A0, s0;
	s26 =	sshll.u32 s21, $0x2  }
0x217: {  	s2 =	simm.s32 $0x7;
	s28 =	sshll.u32 s0, $0x2;
	s19 =	sand.u32 $0x3FFFFFFC, s26  }
0x218: {  	p2 =	sgt.s32 s0, $0x1AF;
	s29 =	ssub.s32 $0x6C0, s28;
	_ =	swait.ge [sflag:s2], s19  }
0x219: {  	s19 =	ssub.s32 $0x0, s19;
	[sflag:s2] =	ssyncset.done $0x0;
	s0 =	sshrl.u32 s29, $0x2  }
0x21a: {  	s30 =	simm.s32 $0x9;
	[sflag:s2] =	ssyncadd.s32 s19;
	s0 =	simm.s32 @p2 $0x0  }
0x21b: {  	_ =	swait.ge [sflag:s30], s0  }
0x21c: {  	s0 =	ssub.s32 $0x0, s0;
	[sflag:s30] =	ssyncset.done $0x0  }
0x21d: {  	[sflag:s30] =	ssyncadd.s32 s0  }
0x21e: {  	v1 =	vld [tilespmem:$0x3648];
	_ =	sdelay $0x4  }
0x21f: {  	(v2sf) =	vpush v1, $0x0  }
0x220: {  	(v2sf) =	vpush v1, $0x1  }
0x221: {  	(v2sf) =	vpush v1, $0x2;
	_ =	sdelay $0x3  }
0x222: {  	s0 =	sadd.s32 $0x1B0, s18  }
0x223: {  	p2 =	slt.s32 s4, s0  }
0x224: {  	s0 =	smov.u32 @p2 s4;
	p2 =	sgt.s32 s20, $0x0  }
0x225: {  	s22 =	ssub.s32 s0, s18;
	s20 =	simm.s32 @!p2 $0x0  }
0x226: {  	p2 =	slt.s32 s20, s22  }
0x227: {  	s22 =	smov.u32 @p2 s20  }
0x228: {  	s21 =	simm.s32 $0x1;
	p2 =	slt.s32 s22, $0x1  }
.Ltmp9:
0x229: {  	s21 =	simm.s32 @!p4 $0x0;
	(pc) =	sbr.rel @p2 .LBB2_12-.Ltmp9, $4  }
0x22a: {  	s31 =	smul.u32 $0x6C0, s21  }
0x22b: {  	s23 =	spop (v2sf)  }
0x22c: {  	s0 =	sshrl.u32 s31, $0x2;
	s25 =	spop (v2sf)  }
0x22d: {  	s19 =	sadd.s32 $0x3D88, s0;
	s18 =	spop (v2sf)  }
0x22e: {  	s0 =	smin.u32 s22, $0x10  }
0x22f: {  	v1 =	vmov s0  }
0x230: {  	p3 =	sgt.s32 s22, $0x10;
	vm1 =	vgt.u32 v1, v0  }
.Ltmp10:
0x231: {  	_ = 	snop;
	(pc) =	sbr.rel @!p3 .LBB2_11-.Ltmp10, $2  }
0x232: {  	_ =	sdelay $0x2  }
0x233: {  	s24 =	simm.s32 $0x10;
	s26 =	sadd.s32 $0xFFFFFFF0, s22;
	s20 =	smov.u32 s19;
	vm0 =	vmmov vm1  }
.LBB2_10:
0x234: {  	s0 =	smin.u32 s26, $0x10;
	s24 =	sadd.s32 $0x10, s24;
	v1 =	vld.msk [tilespmem:s20+$0x0 ss:$0x1], vm1  }
0x235: {  	v2 =	vmov s0;
	p3 =	slt.s32 s24, s22  }
0x236: {  	vm1 =	vgt.u32 v2, v0  }
.Ltmp11:
0x237: {  	(pc) =	sbr.rel @p3 .LBB2_10-.Ltmp11, $3  }
0x238: {  	_ =	sdelay $0x1  }
0x239: {  	v1 =	vshll.u32 v1, $0x4  }
0x23a: {  	s26 =	sadd.s32 $0xFFFFFFF0, s26;
	[tilespmem:s20+$0x0] =	vst.msk vm0, v1;
	s20 =	sadd.s32 $0x10, s20;
	vm0 =	vmmov vm1  }
.LBB2_11:
0x23b: {  	_ =	sdelay $0x4  }
0x23c: {  	v1 =	vld.msk [tilespmem:s20+$0x0 ss:$0x1], vm1;
	_ =	sdelay $0x4  }
0x23d: {  	v1 =	vshll.u32 v1, $0x4  }
0x23e: {  	[tilespmem:s20+$0x0] =	vst.msk vm0, v1  }
.LBB2_12:
0x23f: {  	s0 =	sand.u32 $0x1, s17  }
0x240: {  	s0 =	smul.u32 $0x1B0, s0  }
0x241: {  	p3 =	sne.s32 s25, $0xFFFFFFFF  }
0x242: {  	v1 =	vld.msk @!p3 [tilespmem:s0+$0x3D88], $0x1;
	_ =	sdelay $0x4  }
0x243: {  	(v2sf) =	vpush @!p3 v1, $0x0;
	_ =	sdelay $0xc  }
.Ltmp12:
0x244: {  	_ = 	snop;
	(pc) =	sbr.rel @p2 .LBB2_18-.Ltmp12, $4  }
0x245: {  	_ = 	snop  }
0x246: {  	s24 =	spop @!p3 (v2sf)  }
0x247: {  	s18 =	simm.s32 @!p3 $0x0;
	s20 =	smov.u32 s24  }
0x248: {  	[sflag:s14] =	ssyncpa.u1 $0x0;
	s24 =	smov.u32 @p3 s23;
	s20 =	smov.u32 @p3 s25  }
0x249: {  	v1 =	vld.msk [tilespmem:s19+$0x0], $0x1;
	_ =	sdelay $0x4  }
0x24a: {  	(v2sf) =	vpush v1, $0x0;
	_ =	sdelay $0xd  }
0x24b: {  	s0 =	simm.s32 @!p4 $0x0  }
0x24c: {  	s26 =	smul.u32 $0x36000, s21;
	s25 =	ssub.s32 $0x0, s22;
	s28 =	spop (v2sf)  }
0x24d: {  	s0 =	simm.s32 @p4 $0x1;
	s23 =	sadd.s32 $0x1, s25;
	p2 =	seq.s32 s24, s28  }
0x24e: {  	[smem:$0x7FD] =	sst s0;
	s0 =	sshrl.u32 s26, $0x2;
	p3 =	sgt.s32 @!p2 s24, $0x0  }
0x24f: {  	s21 =	sadd.s32 $0x40E8, s0;
	s0 =	smov.u32 s24;
	p3 =	por !p3, p2  }
0x250: {  	s0 =	simm.s32 @p3 $0x0;
	p3 =	seq.s32 s23, $0x0  }
.Ltmp13:
0x251: {  	_ = 	snop;
	(pc) =	sbr.rel @p3 .LBB2_15-.Ltmp13, $4  }
0x252: {  	s3 =	smov.u32 s8;
	s12 =	smov.u32 s5;
	s8 =	smov.u32 s6  }
0x253: {  	s22 =	simm.s32 $0x0;
	s29 =	simm.s32 @!p2 $0x1;
	s0 =	smin.u32 @!p2 s0, $0x270FF  }
0x254: {  	s30 =	simm.s32 @!p2 $0x1B38;
	s29 =	smov.u32 @p2 s22;
	s26 =	sand.u32 @!p2 $0x3FFF8, s0  }
0x255: {  	s31 =	sand.u32 @!p2 $0x7, s0;
	s0 =	sadd.s32 @!p2 s1, s26;
	s26 =	sadd.s32 $0x1, s19  }
.LBB2_14:
0x256: {  	s2 =	smov.u32 s29  }
0x257: {  	[tilespmem:s30], [sflag:$0x2] =	stream.linear.gather @!p2 [hbm4b:s0+s31], $0x4, $0x38;
	[tilespmem:$0x1F0E8] =	vst v63  }
0x258: {  	s23 =	sadd.s32 $0x1, s23;
	s0 =	smov.u32 s28;
	v1 =	vld.msk [tilespmem:s26+$0x0], $0x1  }
0x259: {  	p3 =	seq.s32 s23, $0x0;
	_ =	sdelay $0x3  }
0x25a: {  	(v2sf) =	vpush v1, $0x0;
	_ =	sdelay $0xe  }
0x25b: {  	s28 =	spop (v2sf)  }
0x25c: {  	p2 =	seq.s32 s0, s28  }
0x25d: {  	p4 =	sgt.s32 @!p2 s0, $0x0;
	s30 =	sshll.u32 @!p2 s29, $0x6;
	s29 =	sadd.s32 @!p2 $0x1, s29  }
.Ltmp14:
0x25e: {  	p4 =	por !p4, p2;
	s30 =	sshra.s32 @!p2 s30, $0x2;
	(pc) =	sbr.rel @!p3 .LBB2_14-.Ltmp14, $4  }
0x25f: {  	s29 =	smov.u32 @p2 s2;
	s0 =	simm.s32 @p4 $0x0;
	s30 =	sadd.s32 @!p2 $0x1B38, s30  }
0x260: {  	s0 =	smin.u32 @!p2 s0, $0x270FF  }
0x261: {  	s2 =	sand.u32 @!p2 $0x3FFF8, s0;
	s31 =	sand.u32 @!p2 $0x7, s0  }
0x262: {  	s26 =	sadd.s32 $0x1, s26;
	s0 =	sadd.s32 @!p2 s1, s2  }
.LBB2_15:
0x263: {  	[tilespmem:s30], [sflag:$0x2] =	stream.linear.gather @!p2 [hbm4b:s0+s31], $0x4, $0x38;
	[tilespmem:$0x1F0E8] =	vst v63  }
0x264: {  	s31 =	sshll.u32 s29, $0x2  }
0x265: {  	s2 =	simm.s32 $0x2;
	s0 =	sand.u32 $0x3FFFFFFC, s31  }
0x266: {  	_ =	swait.ge [sflag:s2], s0  }
0x267: {  	s0 =	ssub.s32 $0x0, s0;
	[sflag:s2] =	ssyncset.done $0x0  }
0x268: {  	[sflag:s2] =	ssyncadd.s32 s0  }
0x269: {  	v1 =	vld.msk [tilespmem:s19+$0x0], $0x1;
	_ =	sdelay $0x4  }
0x26a: {  	(v2sf) =	vpush v1, $0x0;
	_ =	sdelay $0xe  }
0x26b: {  	s23 =	spop (v2sf)  }
0x26c: {  	p2 =	sne.s32 s24, s23  }
0x26d: {  	p4 =	sne.s32 @p2 s24, s20  }
0x26e: {  	p3 =	por !p4, !p2  }
0x26f: {  	s0 =	simm.s32 @!p3 $0x0  }
0x270: {  	v1 =	vld.msk @!p3 [tilespmem:s0+$0x1B38], $0xf  }
0x271: {  	p5 =	sgt.u32 @!p3 s24, $0x270FF  }
0x272: {  	s2 =	sshll.u32 @!p3 s18, $0x6;
	p6 =	por @p2 p5, !p4  }
0x273: {  	s2 =	sshra.s32 @!p3 s2, $0x2;
	p1 =	por p6, !p2;
	p6 =	por p4, !p2  }
0x274: {  	s26 =	sadd.s32 @!p3 $0x28, s2;
	s28 =	sand.u32 @!p1 $0x3FFF8, s24;
	s29 =	sshll.u32 @!p6 s18, $0x6  }
0x275: {  	s24 =	sand.u32 @!p1 $0x7, s24;
	[tilespmem:s2+$0x28] =	vst.add.f32.msk @!p3 $0xf, v1;
	s2 =	sadd.s32 @!p1 s1, s28;
	s28 =	sshra.s32 @!p6 s29, $0x2  }
0x276: {  	[hbm4b:s2+s24] =	stream.linear.scatter @!p1 [tilespmem:s26], [sflag:$0xA], $0x4, $0x38;
	[tilespmem:$0x1F0E8] =	vst v63  }
0x277: {  	s0 =	rddreg [dreg:$0x2];
	s2 =	sadd.s32 @!p6 $0x28, s28;
	s24 =	simm.s32 @!p6 $0x1  }
0x278: {  	[spmem:s0] =	stream.linear.scatter @!p6 [tilespmem:s2], [sflag:$0x1], $0x4, $0x38;
	[tilespmem:$0x1F0E8] =	vst v63  }
0x279: {  	s0 =	sadd.s32 @p2 $0x1, s18;
	_ =	swait.ge @!p6 [sflag:s24], $0x4  }
0x27a: {  	s2 =	sshrl.u32 @p2 s0, $0x4;
	[sflag:s24] =	ssyncset.done @!p6 $0x0  }
0x27b: {  	s2 =	smulhi.u32 @p2 $0x97B425F, s2;
	[sflag:s24] =	ssyncadd.s32 @!p6 $0xFFFFFFFC  }
0x27c: {  	s24 =	sadd.s32 $0x1, s25;
	v1 =	vld.msk @p2 [tilespmem:s21+$0x0], $0xf  }
0x27d: {  	p1 =	por @p2 !p5, !p4;
	s2 =	smul.u32 @p2 $0x1B0, s2;
	p4 =	seq.s32 s24, $0x0  }
.Ltmp15:
0x27e: {  	p1 =	por !p1, !p2;
	s25 =	simm.s32 @!p3 $0x0;
	(pc) =	sbr.rel @p4 .LBB2_17-.Ltmp15, $4  }
0x27f: {  	s26 =	sshll.u32 @!p2 s18, $0x6;
	s25 =	simm.s32 @!p1 $0x10;
	s0 =	ssub.s32 @p2 s0, s2  }
0x280: {  	s26 =	sshra.s32 @!p2 s26, $0x2;
	s28 =	sadd.s32 @!p3 $0x0, s25;
	s29 =	sshll.u32 @p2 s0, $0x4  }
0x281: {  	s25 =	simm.s32 $0x0;
	s2 =	simm.s32 @p2 $0x1;
	s28 =	smov.u32 @p3 s22;
	[tilespmem:s29+$0x28] =	vst.msk @p2 $0xf, v1  }
0x282: {  	s18 =	smov.u32 @p2 s0;
	s25 =	smov.u32 @p2 s28;
	s22 =	smov.u32 @p2 s2;
	v1 =	vld.msk @!p2 [tilespmem:s21+$0x0], $0xf  }
.LBB2_16:
0x283: {  	_ =	sdelay $0x3  }
0x284: {  	s19 =	sadd.s32 $0x1, s19;
	[tilespmem:s26+$0x28] =	vst.add.f32.msk @!p2 $0xf, v1  }
0x285: {  	v1 =	vld.msk [tilespmem:s19+$0x0], $0x1;
	_ =	sdelay $0x4  }
0x286: {  	(v2sf) =	vpush v1, $0x0;
	_ =	sdelay $0xe  }
0x287: {  	s0 =	smov.u32 s23;
	s23 =	spop (v2sf)  }
0x288: {  	p2 =	sne.s32 s0, s23  }
0x289: {  	p5 =	sne.s32 @p2 s0, s20  }
0x28a: {  	p4 =	por !p5, !p2  }
0x28b: {  	s30 =	sshll.u32 @!p4 s22, $0x6  }
0x28c: {  	s30 =	sshra.s32 @!p4 s30, $0x2  }
0x28d: {  	p1 =	sgt.u32 @!p4 s0, $0x270FF;
	v1 =	vld.msk @!p4 [tilespmem:s30+$0x1B38], $0xf  }
0x28e: {  	s31 =	sshll.u32 @!p4 s18, $0x6;
	p6 =	por @p2 p1, !p5;
	p1 =	por @p2 !p1, !p5  }
0x28f: {  	s5 =	simm.s32 @!p4 $0x0;
	s31 =	sshra.s32 @!p4 s31, $0x2;
	p1 =	por !p1, !p2  }
0x290: {  	p5 =	por p5, !p2;
	s5 =	simm.s32 @!p1 $0x10;
	p1 =	por p6, !p2  }
0x291: {  	s30 =	sadd.s32 @!p4 $0x28, s31;
	s6 =	sshll.u32 @!p5 s18, $0x6;
	s10 =	sand.u32 @!p1 $0x3FFF8, s0  }
0x292: {  	s6 =	sshra.s32 @!p5 s6, $0x2;
	s0 =	sand.u32 @!p1 $0x7, s0;
	s10 =	sadd.s32 @!p1 s1, s10;
	[tilespmem:s31+$0x28] =	vst.add.f32.msk @!p4 $0xf, v1  }
0x293: {  	[hbm4b:s10+s0] =	stream.linear.scatter @!p1 [tilespmem:s30], [sflag:$0xA], $0x4, $0x38;
	[tilespmem:$0x1F0E8] =	vst v63  }
0x294: {  	s2 =	rddreg [dreg:$0x2];
	s0 =	sadd.s32 @!p5 $0x28, s6;
	s6 =	simm.s32 @!p5 $0x1  }
0x295: {  	[spmem:s2] =	stream.linear.scatter @!p5 [tilespmem:s0], [sflag:$0x1], $0x4, $0x38;
	[tilespmem:$0x1F0E8] =	vst v63  }
0x296: {  	s28 =	sadd.s32 @p2 $0x1, s18;
	_ =	swait.ge @!p5 [sflag:s6], $0x4  }
0x297: {  	s29 =	sshrl.u32 @p2 s28, $0x4;
	[sflag:s6] =	ssyncset.done @!p5 $0x0  }
0x298: {  	s21 =	sadd.s32 $0x80, s21;
	s29 =	smulhi.u32 @p2 $0x97B425F, s29;
	[sflag:s6] =	ssyncadd.s32 @!p5 $0xFFFFFFFC  }
0x299: {  	s24 =	sadd.s32 $0x1, s24;
	v1 =	vld.msk @p2 [tilespmem:s21+$0x0], $0xf  }
0x29a: {  	p3 =	seq.s32 s24, $0x0;
	s29 =	smul.u32 @p2 $0x1B0, s29  }
.Ltmp16:
0x29b: {  	_ = 	snop;
	(pc) =	sbr.rel @!p3 .LBB2_16-.Ltmp16, $4  }
0x29c: {  	s28 =	ssub.s32 @p2 s28, s29  }
0x29d: {  	s26 =	sshll.u32 @!p2 s18, $0x6;
	s5 =	sadd.s32 @!p4 s5, s25;
	s10 =	sshll.u32 @p2 s28, $0x4  }
0x29e: {  	s9 =	sadd.s32 @p2 $0x1, s22;
	s26 =	sshra.s32 @!p2 s26, $0x2;
	s5 =	smov.u32 @p4 s25;
	[tilespmem:s10+$0x28] =	vst.msk @p2 $0xf, v1  }
0x29f: {  	s22 =	smov.u32 @p2 s9;
	s18 =	smov.u32 @p2 s28;
	s25 =	smov.u32 @p2 s5;
	v1 =	vld.msk @!p2 [tilespmem:s21+$0x0], $0xf  }
.LBB2_17:
.Ltmp17:
0x2a0: {  	_ = 	snop;
	(pc) =	sbr.rel .LBB2_19-.Ltmp17, $4  }
0x2a1: {  	s2 =	sld [smem:$0x7FD]  }
0x2a2: {  	s0 =	sshrl.u32 s25, $0x2  }
0x2a3: {  	s24 =	smov.u32 s23;
	s6 =	smov.u32 s8;
	s5 =	smov.u32 s12  }
0x2a4: {  	s8 =	smov.u32 s3;
	s3 =	rddreg [dreg:$0x3];
	p4 =	seq.s32 s2, $0x1;
	[tilespmem:s26+$0x28] =	vst.add.f32.msk @!p2 $0xf, v1  }
.LBB2_21:
0x2a5: {  	_ =	sfence.sel $0x180000  }
0x2a6: {  	s0 =	simm.s32 $0x7;
	[bflag:$0x0] =	sbarrier.arrive $0xFFFF  }
0x2a7: {  	s25 =	simm.s32 $0x8;
	[sflag:s0] =	ssyncpa.u1 $0x1  }
0x2a8: {  	s26 =	simm.s32 $0x9;
	[sflag:s25] =	ssyncpa.u1 $0x1  }
0x2a9: {  	s28 =	simm.s32 $0x2;
	[sflag:s26] =	ssyncpa.u1 $0x1  }
0x2aa: {  	[sflag:s28] =	ssyncpa.u1 $0x1  }
0x2ab: {  	v0 =	vld [tilespmem:$0x3648];
	_ =	sdelay $0x4  }
0x2ac: {  	(v2sf) =	vpush v0, $0x0  }
0x2ad: {  	(v2sf) =	vpush v0, $0x1;
	_ =	sdelay $0x1  }
0x2ae: {  	(v2sf) =	vpush v0, $0x2;
	_ =	sdelay $0xb  }
0x2af: {  	s0 =	spop (v2sf)  }
0x2b0: {  	s2 =	spop (v2sf)  }
0x2b1: {  	s3 =	smov.u32 s0;
	p0 =	sne.s32 s0, s2  }
0x2b2: {  	s4 =	spop (v2sf);
	s3 =	simm.s32 @!p0 $0xFFFFFFFF  }
0x2b3: {  	v2 =	vimm.s32 $0x1;
	v3 =	vlaneseq.u32;
	p0 =	seq.s32 s4, $0xFFFFFFFF;
	v1 =	vmov s3  }
0x2b4: {  	s7 =	stileid.u32;
	v0 =	vperm.xlane v0, v2;
	p1 =	sne.s32 @!p0 s0, s2;
	v1 =	vperm.xlane v1, v3  }
0x2b5: {  	vm0 =	vcmask $0x3F04;
	s6 =	simm.s32 $0x3648;
	s0 =	simm.s32 @!p0 $0x1;
	p1 =	por !p1, p0  }
0x2b6: {  	s3 =	sshll.u32 s7, $0x1;
	s2 =	sshll.u32 @!p0 s4, $0x6;
	s0 =	simm.s32 @p1 $0x0;
	v0 =	vsel vm0, v1, v0  }
0x2b7: {  	s5 =	sor.u32 $0x200, s3;
	s2 =	sshra.s32 @!p0 s2, $0x2;
	s0 =	sor.u32 @!p0 s0, s3;
	[tilespmem:$0x3648] =	vst v0  }
0x2b8: {  	[spmem:s5] =	stream.linear.scatter [tilespmem:s6], [sflag:$0x1], $0x2, $0x38;
	[tilespmem:$0x1F0E8] =	vst v63  }
0x2b9: {  	s2 =	sadd.s32 @!p0 $0x28, s2;
	s0 =	sshll.u32 @!p0 s0, $0x4  }
0x2ba: {  	[spmem:s0] =	stream.linear.scatter @!p0 [tilespmem:s2], [sflag:$0x1], $0x10, $0x38;
	[tilespmem:$0x1F0E8] =	vst v63  }
0x2bb: {  	s0 =	simm.s32 @!p0 $0x12  }
0x2bc: {  	s3 =	simm.s32 $0x1;
	s0 =	simm.s32 @p0 $0x2  }
0x2bd: {  	_ =	swait.ge [sflag:s3], s0  }
0x2be: {  	s0 =	ssub.s32 $0x0, s0;
	[sflag:s3] =	ssyncset.done $0x0  }
0x2bf: {  	[sflag:s3] =	ssyncadd.s32 s0  }
0x2c0: {  	_ =	sfence.stream.spmem  }
0x2c1: {  	s29 =	simm.s32 $0x3;
	[bflag:$0x0] =	sbarrier.arrive $0xFFFF  }
0x2c2: {  	s30 =	simm.s32 $0x4;
	[sflag:s29] =	ssyncpa.u1 $0x1  }
0x2c3: {  	s31 =	simm.s32 $0x3C;
	[sflag:s30] =	ssyncpa.u1 $0x1  }
0x2c4: {  	p0 =	sne.s32 s7, $0x0;
	[sflag:s31] =	ssyncpa.u1 $0x1  }
0x2c5: {  	_ =	sfence @p0  }
0x2c6: {  	[sflag:s3] =	ssyncpa.u1 @p0 $0x1  }
0x2c7: {  	_ =	strace @p0 $0x90000047  }
0x2c8: {  	[bflag:$0x2] =	sbarrier.arrive @p0 $0xFFFF  }
0x2c9: {  	_ =	shalt @p0  }
.LBB2_22:
0x2ca: {  	_ =	sfence.stream.spmem;
	s0 =	simm.s32 $0x5  }
0x2cb: {  	s2 =	simm.s32 $0x200;
	s3 =	simm.s32 $0x3658;
	[sflag:s0] =	ssyncpa.u1 $0x0  }
0x2cc: {  	[tilespmem:s3], [sflag:$0x5] =	stream.linear.gather [spmem:s2], $0x20, $0x38;
	[tilespmem:$0x1F0E8] =	vst v63  }
0x2cd: {  	s30 =	simm.s32 $0x3678;
	s2 =	simm.s32 $0x0  }
0x2ce: {  	[tilespmem:s30], [sflag:$0x5] =	stream.linear.gather [spmem:s2], $0x200, $0x38;
	[tilespmem:$0x1F0E8] =	vst v63  }
.Ltmp18:
0x2cf: {  	_ = 	snop;
	(pc) =	sbr.rel .LBB2_23-.Ltmp18, $4  }
0x2d0: {  	_ =	swait.ge [sflag:s0], $0x220  }
0x2d1: {  	[sflag:s0] =	ssyncset.done $0x0  }
0x2d2: {  	s31 =	simm.s32 $0x6;
	[sflag:s0] =	ssyncadd.s32 $0xFFFFFDE0  }
0x2d3: {  	s3 =	simm.s32 $0x0;
	[sflag:s31] =	ssyncpa.u1 $0x0  }
.LBB2_28:
0x2d4: {  	p0 =	slt.u32 s4, $0x27100  }
0x2d5: {  	s0 =	sand.u32 @p0 $0x3FFF8, s4  }
0x2d6: {  	s4 =	sand.u32 @p0 $0x7, s4;
	s5 =	simm.s32 @p0 $0x3638;
	s0 =	sadd.s32 @p0 s1, s0  }
0x2d7: {  	[tilespmem:s5], [sflag:$0x6] =	stream.linear.gather @p0 [hbm4b:s0+s4], $0x4, $0x38;
	[tilespmem:$0x1F0E8] =	vst v63  }
0x2d8: {  	s0 =	simm.s32 @p0 $0x6  }
0x2d9: {  	_ =	swait.ge @p0 [sflag:s0], $0x4  }
0x2da: {  	[sflag:s0] =	ssyncset.done @p0 $0x0  }
0x2db: {  	[sflag:s0] =	ssyncadd.s32 @p0 $0xFFFFFFFC  }
0x2dc: {  	v1 =	vld @p0 [tilespmem:$0x3638];
	_ =	sdelay $0x2  }
0x2dd: {  	s0 =	sshll.u32 @p0 s3, $0x6  }
0x2de: {  	s5 =	sshll.u32 @!p0 s3, $0x6;
	s4 =	sshrl.u32 @p0 s0, $0x2  }
0x2df: {  	s5 =	smov.u32 @p0 s0;
	[tilespmem:s4+$0x3678] =	vst.add.f32.msk @p0 $0xffff, v1  }
0x2e0: {  	s0 =	sshrl.u32 s5, $0x2;
	[tilespmem:s2+$0x3658] =	vst.msk $0x1, v0  }
0x2e1: {  	v0 =	vld [tilespmem:s0+$0x3678];
	_ =	sdelay $0x2  }
0x2e2: {  	s31 =	sshll.u32 s2, $0x6  }
0x2e3: {  	s0 =	sshra.s32 s31, $0x2  }
0x2e4: {  	s2 =	sadd.s32 $0x1, s2;
	[tilespmem:s0+$0x3678] =	vst v0  }
.LBB2_30:
0x2e5: {  	s3 =	sadd.s32 $0x1, s3  }
0x2e6: {  	p0 =	sne.s32 s3, $0x20  }
.Ltmp19:
0x2e7: {  	_ = 	snop;
	(pc) =	sbr.rel @!p0 .LBB2_31-.Ltmp19, $1  }
0x2e8: {  	_ =	sdelay $0x3  }
.LBB2_23:
0x2e9: {  	v0 =	vld.msk [tilespmem:s3+$0x3658], $0x1;
	_ =	sdelay $0x4  }
0x2ea: {  	(v2sf) =	vpush v0, $0x0;
	_ =	sdelay $0xe  }
0x2eb: {  	s4 =	spop (v2sf)  }
0x2ec: {  	p0 =	seq.s32 s4, $0xFFFFFFFF  }
.Ltmp20:
0x2ed: {  	_ = 	snop;
	(pc) =	sbr.rel @p0 .LBB2_30-.Ltmp20, $1  }
0x2ee: {  	_ =	sdelay $0x3  }
0x2ef: {  	p0 =	slt.s32 s2, $0x1  }
.Ltmp21:
0x2f0: {  	_ = 	snop;
	(pc) =	sbr.rel @p0 .LBB2_28-.Ltmp21, $1  }
0x2f1: {  	_ =	sdelay $0x3  }
0x2f2: {  	s5 =	simm.s32 $0x3658;
	p0 =	por $0x0, $0x0  }
0x2f3: {  	v1 =	vld.msk @!p0 [tilespmem:s5+$0x0], $0x1;
	_ =	sdelay $0x4  }
0x2f4: {  	(v2sf) =	vpush @!p0 v1, $0x0;
	_ =	sdelay $0xd  }
0x2f5: {  	p2 =	sne.s32 s2, $0x1  }
.Ltmp22:
0x2f6: {  	s0 =	spop @!p0 (v2sf);
	(pc) =	sbr.rel @!p2 .LBB2_27-.Ltmp22, $4  }
0x2f7: {  	p1 =	seq.s32 @!p0 s4, s0  }
0x2f8: {  	s6 =	simm.s32 $0x0;
	p1 =	por !p1, p0  }
0x2f9: {  	s0 =	simm.s32 $0xFFFFFFFF;
	s6 =	simm.s32 @p1 $0xFFFFFFFF  }
0x2fa: {  	s7 =	simm.s32 $0x1;
	s6 =	smov.u32 @p0 s0  }
.LBB2_26:
0x2fb: {  	s0 =	smov.u32 s6;
	p0 =	sne.s32 s6, $0xFFFFFFFF  }
0x2fc: {  	s5 =	sadd.s32 $0x1, s5;
	s6 =	smov.u32 s7;
	s7 =	sadd.s32 $0x1, s7  }
0x2fd: {  	p1 =	sne.s32 s2, s7;
	v1 =	vld.msk @!p0 [tilespmem:s5+$0x0], $0x1;
	_ =	sdelay $0x4  }
0x2fe: {  	(v2sf) =	vpush @!p0 v1, $0x0;
	_ =	sdelay $0xe  }
.Ltmp23:
0x2ff: {  	s8 =	spop @!p0 (v2sf);
	(pc) =	sbr.rel @p1 .LBB2_26-.Ltmp23, $4  }
0x300: {  	p2 =	seq.s32 @!p0 s4, s8  }
0x301: {  	p2 =	por !p2, p0  }
0x302: {  	s6 =	simm.s32 @p2 $0xFFFFFFFF  }
0x303: {  	s6 =	smov.u32 @p0 s0  }
.LBB2_27:
0x304: {  	p0 =	sne.s32 s6, $0xFFFFFFFF  }
.Ltmp24:
0x305: {  	_ = 	snop;
	(pc) =	sbr.rel @!p0 .LBB2_28-.Ltmp24, $1  }
0x306: {  	_ =	sdelay $0x3  }
0x307: {  	s0 =	sshll.u32 s3, $0x4  }
0x308: {  	s0 =	sand.u32 $0x3FFFFFF0, s0  }
0x309: {  	v0 =	vld [tilespmem:s0+$0x3678]  }
.Ltmp25:
0x30a: {  	_ = 	snop;
	(pc) =	sbr.rel .LBB2_30-.Ltmp25, $4  }
0x30b: {  	_ = 	snop  }
0x30c: {  	s31 =	sshll.u32 s6, $0x6  }
0x30d: {  	s0 =	sshra.s32 s31, $0x2  }
0x30e: {  	[tilespmem:s0+$0x3678] =	vst.add.f32.msk $0xffff, v0  }
.LBB2_31:
0x30f: {  	p0 =	slt.s32 s2, $0x1  }
.Ltmp26:
0x310: {  	_ = 	snop;
	(pc) =	sbr.rel @p0 .LBB2_35-.Ltmp26, $3  }
0x311: {  	_ =	sdelay $0x1  }
0x312: {  	s0 =	simm.s32 $0x6  }
0x313: {  	s3 =	simm.s32 $0x0;
	[sflag:s0] =	ssyncpa.u1 $0x1  }
0x314: {  	s0 =	simm.s32 $0x3658  }
0x315: {  	v0 =	vld.msk [tilespmem:s0+$0x0], $0x1;
	_ =	sdelay $0x4  }
0x316: {  	(v2sf) =	vpush v0, $0x0;
	_ =	sdelay $0xd  }
0x317: {  	s2 =	sadd.s32 $0xFFFFFFFF, s2  }
0x318: {  	p1 =	sne.s32 s2, $0x0;
	s0 =	spop (v2sf)  }
.Ltmp27:
0x319: {  	p0 =	sgt.u32 s0, $0x270FF;
	(pc) =	sbr.rel @!p1 .LBB2_34-.Ltmp27, $4  }
0x31a: {  	s4 =	simm.s32 $0x3678;
	s5 =	sand.u32 @!p0 $0x3FFF8, s0  }
0x31b: {  	s6 =	simm.s32 $0x0;
	s0 =	sand.u32 @!p0 $0x7, s0;
	s5 =	sadd.s32 @!p0 s1, s5  }
0x31c: {  	[hbm4b:s5+s0] =	stream.linear.scatter @!p0 [tilespmem:s4], [sflag:$0x5], $0x4, $0x38;
	[tilespmem:$0x1F0E8] =	vst v63  }
0x31d: {  	s6 =	simm.s32 @!p0 $0x10;
	s5 =	simm.s32 $0x3659  }
.LBB2_33:
0x31e: {  	v0 =	vld.msk [tilespmem:s5+$0x0], $0x1;
	s2 =	sadd.s32 $0xFFFFFFFF, s2;
	s3 =	sadd.s32 s3, s6  }
0x31f: {  	p0 =	sne.s32 s2, $0x0;
	_ =	sdelay $0x3  }
0x320: {  	(v2sf) =	vpush v0, $0x0;
	_ =	sdelay $0xe  }
.Ltmp28:
0x321: {  	s0 =	spop (v2sf);
	(pc) =	sbr.rel @p0 .LBB2_33-.Ltmp28, $4  }
0x322: {  	s6 =	simm.s32 $0x0;
	p1 =	sgt.u32 s0, $0x270FF  }
0x323: {  	s4 =	sadd.s32 $0x10, s4;
	s6 =	simm.s32 @!p1 $0x10;
	s7 =	sand.u32 @!p1 $0x3FFF8, s0  }
0x324: {  	s5 =	sadd.s32 $0x1, s5;
	s0 =	sand.u32 @!p1 $0x7, s0;
	s7 =	sadd.s32 @!p1 s1, s7  }
0x325: {  	[hbm4b:s7+s0] =	stream.linear.scatter @!p1 [tilespmem:s4], [sflag:$0x5], $0x4, $0x38;
	[tilespmem:$0x1F0E8] =	vst v63  }
.LBB2_34:
0x326: {  	s0 =	sadd.s32 s3, s6  }
0x327: {  	s3 =	sshrl.u32 s0, $0x2  }
.LBB2_35:
0x328: {  	s0 =	simm.s32 $0x5  }
0x329: {  	_ =	swait.ge [sflag:s0], s3  }
0x32a: {  	s1 =	ssub.s32 $0x0, s3;
	[sflag:s0] =	ssyncset.done $0x0  }
0x32b: {  	[sflag:s0] =	ssyncadd.s32 s1  }
0x32c: {  	[sflag:s0] =	ssyncpa.u1 $0x1  }
0x32d: {  	s30 =	simm.s32 $0x1;
	_ =	sfence  }
0x32e: {  	[sflag:s30] =	ssyncpa.u1 $0x1  }
0x32f: {  	_ =	strace $0x90000047  }
0x330: {  	[bflag:$0x2] =	sbarrier.arrive $0xFFFF  }
0x331: {  	s31 =	rddreg [dreg:$0x1]  }
0x332: {  	s0 =	sadd.s32 $0x100000, s31  }
0x333: {  	[sflag:s0] =	ssyncadd.tile.s32 $0x1;
	_ =	shalt  }
.Lfunc_end2:
_tile_overlayer_lowered:
.L_overlay_start_2:
0x334: {  	(tag) =	ssettag $0x2  }
0x335: {  	s0 =	rddreg [dreg:$0x0];
	s2 =	stileid.u32  }
0x336: {  	s1 =	rddreg [dreg:$0x1];
	p0 =	sne.s32 s2, $0x0  }
0x337: {  	s3 =	rddreg [dreg:$0x2];
	[bflag:$0x3] =	sbarrier.arrive $0xFFFF;
	s2 =	simm.s32 @!p0 $0x1C01  }
0x338: {  	[timem:s3], [sflag:s2] =	dma.local @!p0 [hbm:s0], s1  }
0x339: {  	s0 =	simm.s32 @!p0 $0x1  }
0x33a: {  	_ =	swait.ge @!p0 [sflag:s0], s1  }
0x33b: {  	s1 =	ssub.s32 @!p0 $0x0, s1;
	[sflag:s0] =	ssyncset.done @!p0 $0x0  }
0x33c: {  	[sflag:s0] =	ssyncadd.s32 @!p0 s1  }
0x33d: {  	[bflag:$0x3] =	sbarrier.arrive $0xFFFF  }
0x33e: {  	_ =	shalt  }

</sc_bundles>
